<compile_context>
chip_gen: v7x
topology: tpu7x:2x2x1
jax: 0.10.2.dev20260603
libtpu: 0.0.44.dev20260713+nightly
codegen_flags: <defaults>
</compile_context>

<pallas_src>
import jax
import jax.numpy as jnp
from jax import lax
from jax.experimental import pallas as pl
from jax.experimental.pallas import tpu as pltpu
from jax.experimental.pallas import tpu_sc as plsc

BATCH = 16384
D = 128
NC, NS = 2, 16
NW = NC * NS
CHUNK = 256
NBUF = 3


def _make_gather4(nrows, row_off):
    bpw = nrows // NW
    nchunk = max(1, bpw // CHUNK)
    chunk = bpw // nchunk
    ntask = 4 * nchunk

    nbuf = NBUF

    def body(uid, iid, mlp_ut, mlp_it, gmf_ut, gmf_it, out,
             idx_u, idx_i, *bufsem):
        wid = lax.axis_index("s") * NC + lax.axis_index("c")
        base = wid * bpw
        bufs = bufsem[0:nbuf]
        gsems = bufsem[nbuf:2 * nbuf]
        wsems = bufsem[2 * nbuf:3 * nbuf]
        cu = pltpu.async_copy(uid.at[pl.ds(row_off + base, bpw)], idx_u, gsems[0])
        ci = pltpu.async_copy(iid.at[pl.ds(row_off + base, bpw)], idx_i, gsems[1])
        cu.wait()
        ci.wait()
        tasks = []
        for ti, (table, idx) in enumerate(((mlp_ut, idx_u), (mlp_it, idx_i),
                                           (gmf_ut, idx_u), (gmf_it, idx_i))):
            for c in range(nchunk):
                tasks.append((table, idx.at[pl.ds(c * chunk, chunk)],
                              out.at[pl.ds(base + c * chunk, chunk),
                                     pl.ds(ti * D, D)]))

        def start_gather(t):
            table, idx_sl, _ = tasks[t]
            return pltpu.async_copy(table.at[idx_sl], bufs[t % nbuf],
                                    gsems[t % nbuf])

        gh = [None] * ntask
        wh = [None] * ntask
        for t in range(min(nbuf, ntask)):
            gh[t] = start_gather(t)
        for t in range(ntask):
            gh[t].wait()
            wh[t] = pltpu.async_copy(bufs[t % nbuf], tasks[t][2],
                                     wsems[t % nbuf])
            nt = t + nbuf
            if nt < ntask:
                wh[t].wait()
                gh[nt] = start_gather(nt)
        for t in range(max(0, ntask - nbuf), ntask):
            wh[t].wait()

    rows_t = jax.ShapeDtypeStruct((nrows, 4 * D), jnp.float32)
    return pl.kernel(
        body,
        out_type=rows_t,
        mesh=plsc.VectorSubcoreMesh(core_axis_name="c", subcore_axis_name="s"),
        scratch_types=(
            [pltpu.VMEM((bpw,), jnp.int32)] * 2
            + [pltpu.VMEM((chunk, D), jnp.float32)] * NBUF
            + [pltpu.SemaphoreType.DMA] * (2 * NBUF)
        ),
    )


BLK = 1024


def _mlp_compute(x, w1, b1, w2, b2, w3, b3, wo, bo, out):
    f32 = jnp.float32
    h = jnp.dot(x[:, 0:2 * D], w1[...], preferred_element_type=f32) + b1[...]
    h = jnp.maximum(h, 0.0)
    h = jnp.maximum(jnp.dot(h, w2[...], preferred_element_type=f32) + b2[...], 0.0)
    h = jnp.maximum(jnp.dot(h, w3[...], preferred_element_type=f32) + b3[...], 0.0)
    g = x[:, 2 * D:3 * D] * x[:, 3 * D:4 * D]
    logits = (jnp.dot(g, wo[0:D, :], preferred_element_type=f32)
              + jnp.dot(h, wo[D:D + 32, :], preferred_element_type=f32)
              + bo[0])
    out[...] = jax.nn.sigmoid(logits[:, 0])


def _mlp_body_first(x, w1, b1, w2, b2, w3, b3, wo, bo, out):
    _mlp_compute(x, w1, b1, w2, b2, w3, b3, wo, bo, out)


def _mlp_body(x, w1, b1, w2, b2, w3, b3, wo, bo, prev, out):
    _mlp_compute(x, w1, b1, w2, b2, w3, b3, wo, bo, out)


def _const(shape):
    return pl.BlockSpec(shape, lambda i: tuple(0 for _ in shape))


def _make_mlp(nrows, blk_off, aliased):
    specs = [
        pl.BlockSpec((BLK, 4 * D), lambda i: (i, 0)),
        _const((2 * D, D)), _const((D,)),
        _const((D, 64)), _const((64,)),
        _const((64, 32)), _const((32,)),
        _const((D + 32, 1)),
        pl.BlockSpec(memory_space=pltpu.SMEM),
    ]
    if aliased:
        specs.append(pl.BlockSpec(memory_space=pl.ANY))
    return pl.pallas_call(
        _mlp_body if aliased else _mlp_body_first,
        grid=(nrows // BLK,),
        in_specs=specs,
        out_specs=pl.BlockSpec((BLK,), lambda i, o=blk_off: (i + o,)),
        out_shape=jax.ShapeDtypeStruct((BATCH,), jnp.float32),
        input_output_aliases={9: 0} if aliased else {},
    )


NSPLIT = 2
HALF = BATCH // NSPLIT
_gather_halves = [_make_gather4(HALF, s * HALF) for s in range(NSPLIT)]
_mlp_halves = [_make_mlp(HALF, s * (HALF // BLK), s > 0) for s in range(NSPLIT)]


def kernel(user_id, item_id, rating, mlp_user_table, mlp_item_table,
           gmf_user_table, gmf_item_table, W1, b1, W2, b2, W3, b3, Wo, bo):
    pred = None
    for s in range(NSPLIT):
        x = _gather_halves[s](user_id, item_id,
                              mlp_user_table, mlp_item_table,
                              gmf_user_table, gmf_item_table)
        args = (x, W1, b1, W2, b2, W3, b3, Wo, bo)
        pred = _mlp_halves[s](*args) if s == 0 else _mlp_halves[s](*args, pred)
    return (pred, rating)

# --- scband reference (transcript-rebuilt; emitter-appended) ---
"""Pipeline reference for scband-ncf-78108275245418 (READ-ONLY COPY).

The authoritative reference and input builder live on the scoring server;
editing this copy changes nothing except your own understanding.
"""

import jax, jax.numpy as jnp
import numpy as np

USER_NUM = 100000
ITEM_NUM = 100000
PF = 64  # predictive_factor
BATCH = 16384


def setup_inputs(seed: int = 0) -> dict:
    key = jax.random.key(seed)
    ks = jax.random.split(key, 16)
    user_id = jax.random.randint(ks[0], (BATCH,), 0, USER_NUM, dtype=jnp.int64 if jax.config.jax_enable_x64 else jnp.int32)
    item_id = jax.random.randint(ks[1], (BATCH,), 0, ITEM_NUM, dtype=jnp.int64 if jax.config.jax_enable_x64 else jnp.int32)
    rating = jax.random.uniform(ks[2], (BATCH,), dtype=jnp.float32)
    d = 2 * PF  # 128
    mlp_user_table = jax.random.normal(ks[3], (USER_NUM, d), dtype=jnp.float32) * 0.02
    mlp_item_table = jax.random.normal(ks[4], (ITEM_NUM, d), dtype=jnp.float32) * 0.02
    gmf_user_table = jax.random.normal(ks[5], (USER_NUM, d), dtype=jnp.float32) * 0.02
    gmf_item_table = jax.random.normal(ks[6], (ITEM_NUM, d), dtype=jnp.float32) * 0.02
    W1 = jax.random.normal(ks[7], (4 * PF, 2 * PF), dtype=jnp.float32) * 0.05
    b1 = jnp.zeros((2 * PF,), dtype=jnp.float32)
    W2 = jax.random.normal(ks[8], (2 * PF, PF), dtype=jnp.float32) * 0.05
    b2 = jnp.zeros((PF,), dtype=jnp.float32)
    W3 = jax.random.normal(ks[9], (PF, PF // 2), dtype=jnp.float32) * 0.05
    b3 = jnp.zeros((PF // 2,), dtype=jnp.float32)
    Wo = jax.random.normal(ks[10], (2 * PF + PF // 2, 1), dtype=jnp.float32) * 0.05
    bo = jnp.zeros((1,), dtype=jnp.float32)
    return {
        'user_id': user_id, 'item_id': item_id, 'rating': rating,
        'mlp_user_table': mlp_user_table, 'mlp_item_table': mlp_item_table,
        'gmf_user_table': gmf_user_table, 'gmf_item_table': gmf_item_table,
        'W1': W1, 'b1': b1, 'W2': W2, 'b2': b2, 'W3': W3, 'b3': b3,
        'Wo': Wo, 'bo': bo,
    }


def reference(user_id, item_id, rating, mlp_user_table, mlp_item_table,
              gmf_user_table, gmf_item_table, W1, b1, W2, b2, W3, b3, Wo, bo):
    # GMF branch: elementwise product of gmf embeddings
    gmf_u = jnp.take(gmf_user_table, user_id, axis=0)
    gmf_i = jnp.take(gmf_item_table, item_id, axis=0)
    gmf_product = gmf_u * gmf_i  # [B, 2*PF]
    # MLP branch
    mlp_u = jnp.take(mlp_user_table, user_id, axis=0)
    mlp_i = jnp.take(mlp_item_table, item_id, axis=0)
    h = jnp.concatenate([mlp_u, mlp_i], axis=1)  # [B, 4*PF]
    h = jax.nn.relu(h @ W1 + b1)
    h = jax.nn.relu(h @ W2 + b2)
    h = jax.nn.relu(h @ W3 + b3)  # [B, PF//2]
    cat = jnp.concatenate([gmf_product, h], axis=1)  # [B, 2*PF + PF//2]
    logits = (cat @ Wo + bo).reshape(-1)
    pred = jax.nn.sigmoid(logits)
    y = rating.astype(jnp.float32)
    return (pred, y)

if __name__ == "__main__":
    import jax
    _d = setup_inputs()
    print(jax.jit(kernel)(*tuple(_d.values())))

</pallas_src>

<mosaic_0001>
#map = affine_map<(d0, d1) -> (0)>
#map1 = affine_map<(d0, d1) -> (0, 0)>
module attributes {stable_mosaic.version = 14 : i64} {
  func.func @body(%arg0: i32, %arg1: i32, %arg2: memref<16384xi32, #tpu.memory_space<hbm>>, %arg3: memref<16384xi32, #tpu.memory_space<hbm>>, %arg4: memref<100000x128xf32, #tpu.memory_space<hbm>>, %arg5: memref<100000x128xf32, #tpu.memory_space<hbm>>, %arg6: memref<100000x128xf32, #tpu.memory_space<hbm>>, %arg7: memref<100000x128xf32, #tpu.memory_space<hbm>>, %arg8: memref<8192x512xf32, #tpu.memory_space<hbm>>, %arg9: memref<256xi32, #tpu.memory_space<vmem>>, %arg10: memref<256xi32, #tpu.memory_space<vmem>>, %arg11: memref<256x128xf32, #tpu.memory_space<vmem>>, %arg12: memref<256x128xf32, #tpu.memory_space<vmem>>, %arg13: memref<256x128xf32, #tpu.memory_space<vmem>>, %arg14: memref<!tpu.dma_semaphore, #tpu.memory_space<semaphore_mem>>, %arg15: memref<!tpu.dma_semaphore, #tpu.memory_space<semaphore_mem>>, %arg16: memref<!tpu.dma_semaphore, #tpu.memory_space<semaphore_mem>>, %arg17: memref<!tpu.dma_semaphore, #tpu.memory_space<semaphore_mem>>, %arg18: memref<!tpu.dma_semaphore, #tpu.memory_space<semaphore_mem>>, %arg19: memref<!tpu.dma_semaphore, #tpu.memory_space<semaphore_mem>>) attributes {dimension_semantics = [#tpu.dimension_semantics<core_parallel>, #tpu.dimension_semantics<subcore_parallel>], iteration_bounds = array<i64: 2, 16>, scalar_prefetch = 0 : i64, scratch_operands = 11 : i64, tpu.core_type = #tpu.core_type<sc_vector_subcore>, window_params = [{transform_indices = #map}, {transform_indices = #map}, {transform_indices = #map1}, {transform_indices = #map1}, {transform_indices = #map1}, {transform_indices = #map1}, {transform_indices = #map1}]} {
    %mul3A = arith.constant 2 : i32
    %mul3A_0 = arith.muli %arg1, %mul3A : i32
    %add3A = arith.addi %mul3A_0, %arg0 : i32
    %mul3A_1 = arith.constant 256 : i32
    %mul3A_2 = arith.muli %add3A, %mul3A_1 : i32
    %add3A_3 = arith.constant 8192 : i32
    %add3A_4 = arith.addi %add3A_3, %mul3A_2 : i32
    %dma_start3A = tpu.memref_slice %arg2[%add3A_4] : memref<16384xi32, #tpu.memory_space<hbm>> -> memref<256xi32, #tpu.memory_space<hbm>>
    %dma_start3A_5 = tpu.memref_slice %arg2[%add3A_4] : memref<16384xi32, #tpu.memory_space<hbm>> -> memref<256xi32, #tpu.memory_space<hbm>>
    tpu.enqueue_dma source(%dma_start3A_5 : memref<256xi32, #tpu.memory_space<hbm>>) target(%arg9 : memref<256xi32, #tpu.memory_space<vmem>>) target_semaphore(%arg14 : memref<!tpu.dma_semaphore, #tpu.memory_space<semaphore_mem>>)
    %add3A_6 = arith.constant 8192 : i32
    %add3A_7 = arith.addi %add3A_6, %mul3A_2 : i32
    %dma_start3A_8 = tpu.memref_slice %arg3[%add3A_7] : memref<16384xi32, #tpu.memory_space<hbm>> -> memref<256xi32, #tpu.memory_space<hbm>>
    %dma_start3A_9 = tpu.memref_slice %arg3[%add3A_7] : memref<16384xi32, #tpu.memory_space<hbm>> -> memref<256xi32, #tpu.memory_space<hbm>>
    tpu.enqueue_dma source(%dma_start3A_9 : memref<256xi32, #tpu.memory_space<hbm>>) target(%arg10 : memref<256xi32, #tpu.memory_space<vmem>>) target_semaphore(%arg15 : memref<!tpu.dma_semaphore, #tpu.memory_space<semaphore_mem>>)
    %dma_wait3A = tpu.memref_slice %arg2[%add3A_4] : memref<16384xi32, #tpu.memory_space<hbm>> -> memref<256xi32, #tpu.memory_space<hbm>>
    %dma_wait3A_10 = tpu.memref_slice %arg2[%add3A_4] : memref<16384xi32, #tpu.memory_space<hbm>> -> memref<256xi32, #tpu.memory_space<hbm>>
    tpu.wait_dma2 semaphore(%arg14 : memref<!tpu.dma_semaphore, #tpu.memory_space<semaphore_mem>>) src(%dma_wait3A_10 : memref<256xi32, #tpu.memory_space<hbm>>) dst(%arg9 : memref<256xi32, #tpu.memory_space<vmem>>)
    %dma_wait3A_11 = tpu.memref_slice %arg3[%add3A_7] : memref<16384xi32, #tpu.memory_space<hbm>> -> memref<256xi32, #tpu.memory_space<hbm>>
    %dma_wait3A_12 = tpu.memref_slice %arg3[%add3A_7] : memref<16384xi32, #tpu.memory_space<hbm>> -> memref<256xi32, #tpu.memory_space<hbm>>
    tpu.wait_dma2 semaphore(%arg15 : memref<!tpu.dma_semaphore, #tpu.memory_space<semaphore_mem>>) src(%dma_wait3A_12 : memref<256xi32, #tpu.memory_space<hbm>>) dst(%arg10 : memref<256xi32, #tpu.memory_space<vmem>>)
    %add3A_13 = arith.constant 0 : i32
    %add3A_14 = arith.addi %mul3A_2, %add3A_13 : i32
    %add3A_15 = arith.constant 0 : i32
    %add3A_16 = arith.addi %mul3A_2, %add3A_15 : i32
    %add3A_17 = arith.constant 0 : i32
    %add3A_18 = arith.addi %mul3A_2, %add3A_17 : i32
    %add3A_19 = arith.constant 0 : i32
    %add3A_20 = arith.addi %mul3A_2, %add3A_19 : i32
    %dma_start3A_21 = arith.constant 0 : i32
    %dma_start3A_22 = tpu.memref_slice %arg9[%dma_start3A_21] : memref<256xi32, #tpu.memory_space<vmem>> -> memref<256xi32, #tpu.memory_space<vmem>>
    %dma_start3A_23 = arith.constant 0 : i32
    %dma_start3A_24 = arith.constant 0 : i32
    %dma_start3A_25 = tpu.memref_slice %arg4[%dma_start3A_23, %dma_start3A_24] : memref<100000x128xf32, #tpu.memory_space<hbm>> -> memref<100000x128xf32, #tpu.memory_space<hbm>>
    tpu.enqueue_indirect_dma source(%dma_start3A_25 : memref<100000x128xf32, #tpu.memory_space<hbm>>) target(%arg11 : memref<256x128xf32, #tpu.memory_space<vmem>>) offsets(%dma_start3A_22 : memref<256xi32, #tpu.memory_space<vmem>>) semaphore(%arg14 : memref<!tpu.dma_semaphore, #tpu.memory_space<semaphore_mem>>)
    %dma_start3A_26 = arith.constant 0 : i32
    %dma_start3A_27 = tpu.memref_slice %arg10[%dma_start3A_26] : memref<256xi32, #tpu.memory_space<vmem>> -> memref<256xi32, #tpu.memory_space<vmem>>
    %dma_start3A_28 = arith.constant 0 : i32
    %dma_start3A_29 = arith.constant 0 : i32
    %dma_start3A_30 = tpu.memref_slice %arg5[%dma_start3A_28, %dma_start3A_29] : memref<100000x128xf32, #tpu.memory_space<hbm>> -> memref<100000x128xf32, #tpu.memory_space<hbm>>
    tpu.enqueue_indirect_dma source(%dma_start3A_30 : memref<100000x128xf32, #tpu.memory_space<hbm>>) target(%arg12 : memref<256x128xf32, #tpu.memory_space<vmem>>) offsets(%dma_start3A_27 : memref<256xi32, #tpu.memory_space<vmem>>) semaphore(%arg15 : memref<!tpu.dma_semaphore, #tpu.memory_space<semaphore_mem>>)
    %dma_start3A_31 = arith.constant 0 : i32
    %dma_start3A_32 = tpu.memref_slice %arg9[%dma_start3A_31] : memref<256xi32, #tpu.memory_space<vmem>> -> memref<256xi32, #tpu.memory_space<vmem>>
    %dma_start3A_33 = arith.constant 0 : i32
    %dma_start3A_34 = arith.constant 0 : i32
    %dma_start3A_35 = tpu.memref_slice %arg6[%dma_start3A_33, %dma_start3A_34] : memref<100000x128xf32, #tpu.memory_space<hbm>> -> memref<100000x128xf32, #tpu.memory_space<hbm>>
    tpu.enqueue_indirect_dma source(%dma_start3A_35 : memref<100000x128xf32, #tpu.memory_space<hbm>>) target(%arg13 : memref<256x128xf32, #tpu.memory_space<vmem>>) offsets(%dma_start3A_32 : memref<256xi32, #tpu.memory_space<vmem>>) semaphore(%arg16 : memref<!tpu.dma_semaphore, #tpu.memory_space<semaphore_mem>>)
    %dma_wait3A_36 = arith.constant 0 : i32
    %dma_wait3A_37 = tpu.memref_slice %arg9[%dma_wait3A_36] : memref<256xi32, #tpu.memory_space<vmem>> -> memref<256xi32, #tpu.memory_space<vmem>>
    %dma_wait3A_38 = arith.constant 0 : i32
    %dma_wait3A_39 = arith.constant 0 : i32
    %dma_wait3A_40 = tpu.memref_slice %arg4[%dma_wait3A_38, %dma_wait3A_39] : memref<100000x128xf32, #tpu.memory_space<hbm>> -> memref<100000x128xf32, #tpu.memory_space<hbm>>
    tpu.wait_indirect_dma semaphore(%arg14 : memref<!tpu.dma_semaphore, #tpu.memory_space<semaphore_mem>>) src(%dma_wait3A_40 : memref<100000x128xf32, #tpu.memory_space<hbm>>) dst(%arg11 : memref<256x128xf32, #tpu.memory_space<vmem>>)
    %dma_start3A_41 = arith.constant 0 : i32
    %dma_start3A_42 = tpu.memref_slice %arg8[%add3A_14, %dma_start3A_41] : memref<8192x512xf32, #tpu.memory_space<hbm>> -> memref<256x128xf32, #tpu.memory_space<hbm>>
    %dma_start3A_43 = arith.constant 0 : i32
    %dma_start3A_44 = tpu.memref_slice %arg8[%add3A_14, %dma_start3A_43] : memref<8192x512xf32, #tpu.memory_space<hbm>> -> memref<256x128xf32, #tpu.memory_space<hbm>>
    tpu.enqueue_dma source(%arg11 : memref<256x128xf32, #tpu.memory_space<vmem>>) target(%dma_start3A_44 : memref<256x128xf32, #tpu.memory_space<hbm>>) target_semaphore(%arg17 : memref<!tpu.dma_semaphore, #tpu.memory_space<semaphore_mem>>)
    %dma_wait3A_45 = arith.constant 0 : i32
    %dma_wait3A_46 = tpu.memref_slice %arg8[%add3A_14, %dma_wait3A_45] : memref<8192x512xf32, #tpu.memory_space<hbm>> -> memref<256x128xf32, #tpu.memory_space<hbm>>
    %dma_wait3A_47 = arith.constant 0 : i32
    %dma_wait3A_48 = tpu.memref_slice %arg8[%add3A_14, %dma_wait3A_47] : memref<8192x512xf32, #tpu.memory_space<hbm>> -> memref<256x128xf32, #tpu.memory_space<hbm>>
    tpu.wait_dma2 semaphore(%arg17 : memref<!tpu.dma_semaphore, #tpu.memory_space<semaphore_mem>>) src(%arg11 : memref<256x128xf32, #tpu.memory_space<vmem>>) dst(%dma_wait3A_48 : memref<256x128xf32, #tpu.memory_space<hbm>>)
    %dma_start3A_49 = arith.constant 0 : i32
    %dma_start3A_50 = tpu.memref_slice %arg10[%dma_start3A_49] : memref<256xi32, #tpu.memory_space<vmem>> -> memref<256xi32, #tpu.memory_space<vmem>>
    %dma_start3A_51 = arith.constant 0 : i32
    %dma_start3A_52 = arith.constant 0 : i32
    %dma_start3A_53 = tpu.memref_slice %arg7[%dma_start3A_51, %dma_start3A_52] : memref<100000x128xf32, #tpu.memory_space<hbm>> -> memref<100000x128xf32, #tpu.memory_space<hbm>>
    tpu.enqueue_indirect_dma source(%dma_start3A_53 : memref<100000x128xf32, #tpu.memory_space<hbm>>) target(%arg11 : memref<256x128xf32, #tpu.memory_space<vmem>>) offsets(%dma_start3A_50 : memref<256xi32, #tpu.memory_space<vmem>>) semaphore(%arg14 : memref<!tpu.dma_semaphore, #tpu.memory_space<semaphore_mem>>)
    %dma_wait3A_54 = arith.constant 0 : i32
    %dma_wait3A_55 = tpu.memref_slice %arg10[%dma_wait3A_54] : memref<256xi32, #tpu.memory_space<vmem>> -> memref<256xi32, #tpu.memory_space<vmem>>
    %dma_wait3A_56 = arith.constant 0 : i32
    %dma_wait3A_57 = arith.constant 0 : i32
    %dma_wait3A_58 = tpu.memref_slice %arg5[%dma_wait3A_56, %dma_wait3A_57] : memref<100000x128xf32, #tpu.memory_space<hbm>> -> memref<100000x128xf32, #tpu.memory_space<hbm>>
    tpu.wait_indirect_dma semaphore(%arg15 : memref<!tpu.dma_semaphore, #tpu.memory_space<semaphore_mem>>) src(%dma_wait3A_58 : memref<100000x128xf32, #tpu.memory_space<hbm>>) dst(%arg12 : memref<256x128xf32, #tpu.memory_space<vmem>>)
    %dma_start3A_59 = arith.constant 128 : i32
    %dma_start3A_60 = tpu.memref_slice %arg8[%add3A_16, %dma_start3A_59] : memref<8192x512xf32, #tpu.memory_space<hbm>> -> memref<256x128xf32, #tpu.memory_space<hbm>>
    %dma_start3A_61 = arith.constant 128 : i32
    %dma_start3A_62 = tpu.memref_slice %arg8[%add3A_16, %dma_start3A_61] : memref<8192x512xf32, #tpu.memory_space<hbm>> -> memref<256x128xf32, #tpu.memory_space<hbm>>
    tpu.enqueue_dma source(%arg12 : memref<256x128xf32, #tpu.memory_space<vmem>>) target(%dma_start3A_62 : memref<256x128xf32, #tpu.memory_space<hbm>>) target_semaphore(%arg18 : memref<!tpu.dma_semaphore, #tpu.memory_space<semaphore_mem>>)
    %dma_wait3A_63 = arith.constant 0 : i32
    %dma_wait3A_64 = tpu.memref_slice %arg9[%dma_wait3A_63] : memref<256xi32, #tpu.memory_space<vmem>> -> memref<256xi32, #tpu.memory_space<vmem>>
    %dma_wait3A_65 = arith.constant 0 : i32
    %dma_wait3A_66 = arith.constant 0 : i32
    %dma_wait3A_67 = tpu.memref_slice %arg6[%dma_wait3A_65, %dma_wait3A_66] : memref<100000x128xf32, #tpu.memory_space<hbm>> -> memref<100000x128xf32, #tpu.memory_space<hbm>>
    tpu.wait_indirect_dma semaphore(%arg16 : memref<!tpu.dma_semaphore, #tpu.memory_space<semaphore_mem>>) src(%dma_wait3A_67 : memref<100000x128xf32, #tpu.memory_space<hbm>>) dst(%arg13 : memref<256x128xf32, #tpu.memory_space<vmem>>)
    %dma_start3A_68 = arith.constant 256 : i32
    %dma_start3A_69 = tpu.memref_slice %arg8[%add3A_18, %dma_start3A_68] : memref<8192x512xf32, #tpu.memory_space<hbm>> -> memref<256x128xf32, #tpu.memory_space<hbm>>
    %dma_start3A_70 = arith.constant 256 : i32
    %dma_start3A_71 = tpu.memref_slice %arg8[%add3A_18, %dma_start3A_70] : memref<8192x512xf32, #tpu.memory_space<hbm>> -> memref<256x128xf32, #tpu.memory_space<hbm>>
    tpu.enqueue_dma source(%arg13 : memref<256x128xf32, #tpu.memory_space<vmem>>) target(%dma_start3A_71 : memref<256x128xf32, #tpu.memory_space<hbm>>) target_semaphore(%arg19 : memref<!tpu.dma_semaphore, #tpu.memory_space<semaphore_mem>>)
    %dma_wait3A_72 = arith.constant 0 : i32
    %dma_wait3A_73 = tpu.memref_slice %arg10[%dma_wait3A_72] : memref<256xi32, #tpu.memory_space<vmem>> -> memref<256xi32, #tpu.memory_space<vmem>>
    %dma_wait3A_74 = arith.constant 0 : i32
    %dma_wait3A_75 = arith.constant 0 : i32
    %dma_wait3A_76 = tpu.memref_slice %arg7[%dma_wait3A_74, %dma_wait3A_75] : memref<100000x128xf32, #tpu.memory_space<hbm>> -> memref<100000x128xf32, #tpu.memory_space<hbm>>
    tpu.wait_indirect_dma semaphore(%arg14 : memref<!tpu.dma_semaphore, #tpu.memory_space<semaphore_mem>>) src(%dma_wait3A_76 : memref<100000x128xf32, #tpu.memory_space<hbm>>) dst(%arg11 : memref<256x128xf32, #tpu.memory_space<vmem>>)
    %dma_start3A_77 = arith.constant 384 : i32
    %dma_start3A_78 = tpu.memref_slice %arg8[%add3A_20, %dma_start3A_77] : memref<8192x512xf32, #tpu.memory_space<hbm>> -> memref<256x128xf32, #tpu.memory_space<hbm>>
    %dma_start3A_79 = arith.constant 384 : i32
    %dma_start3A_80 = tpu.memref_slice %arg8[%add3A_20, %dma_start3A_79] : memref<8192x512xf32, #tpu.memory_space<hbm>> -> memref<256x128xf32, #tpu.memory_space<hbm>>
    tpu.enqueue_dma source(%arg11 : memref<256x128xf32, #tpu.memory_space<vmem>>) target(%dma_start3A_80 : memref<256x128xf32, #tpu.memory_space<hbm>>) target_semaphore(%arg17 : memref<!tpu.dma_semaphore, #tpu.memory_space<semaphore_mem>>)
    %dma_wait3A_81 = arith.constant 128 : i32
    %dma_wait3A_82 = tpu.memref_slice %arg8[%add3A_16, %dma_wait3A_81] : memref<8192x512xf32, #tpu.memory_space<hbm>> -> memref<256x128xf32, #tpu.memory_space<hbm>>
    %dma_wait3A_83 = arith.constant 128 : i32
    %dma_wait3A_84 = tpu.memref_slice %arg8[%add3A_16, %dma_wait3A_83] : memref<8192x512xf32, #tpu.memory_space<hbm>> -> memref<256x128xf32, #tpu.memory_space<hbm>>
    tpu.wait_dma2 semaphore(%arg18 : memref<!tpu.dma_semaphore, #tpu.memory_space<semaphore_mem>>) src(%arg12 : memref<256x128xf32, #tpu.memory_space<vmem>>) dst(%dma_wait3A_84 : memref<256x128xf32, #tpu.memory_space<hbm>>)
    %dma_wait3A_85 = arith.constant 256 : i32
    %dma_wait3A_86 = tpu.memref_slice %arg8[%add3A_18, %dma_wait3A_85] : memref<8192x512xf32, #tpu.memory_space<hbm>> -> memref<256x128xf32, #tpu.memory_space<hbm>>
    %dma_wait3A_87 = arith.constant 256 : i32
    %dma_wait3A_88 = tpu.memref_slice %arg8[%add3A_18, %dma_wait3A_87] : memref<8192x512xf32, #tpu.memory_space<hbm>> -> memref<256x128xf32, #tpu.memory_space<hbm>>
    tpu.wait_dma2 semaphore(%arg19 : memref<!tpu.dma_semaphore, #tpu.memory_space<semaphore_mem>>) src(%arg13 : memref<256x128xf32, #tpu.memory_space<vmem>>) dst(%dma_wait3A_88 : memref<256x128xf32, #tpu.memory_space<hbm>>)
    %dma_wait3A_89 = arith.constant 384 : i32
    %dma_wait3A_90 = tpu.memref_slice %arg8[%add3A_20, %dma_wait3A_89] : memref<8192x512xf32, #tpu.memory_space<hbm>> -> memref<256x128xf32, #tpu.memory_space<hbm>>
    %dma_wait3A_91 = arith.constant 384 : i32
    %dma_wait3A_92 = tpu.memref_slice %arg8[%add3A_20, %dma_wait3A_91] : memref<8192x512xf32, #tpu.memory_space<hbm>> -> memref<256x128xf32, #tpu.memory_space<hbm>>
    tpu.wait_dma2 semaphore(%arg17 : memref<!tpu.dma_semaphore, #tpu.memory_space<semaphore_mem>>) src(%arg11 : memref<256x128xf32, #tpu.memory_space<vmem>>) dst(%dma_wait3A_92 : memref<256x128xf32, #tpu.memory_space<hbm>>)
    return
  }
}

#map = affine_map<(d0, d1) -> (0)>
#map1 = affine_map<(d0, d1) -> (0, 0)>
module attributes {stable_mosaic.version = 14 : i64} {
  func.func @body(%arg0: i32, %arg1: i32, %arg2: memref<16384xi32, #tpu.memory_space<hbm>>, %arg3: memref<16384xi32, #tpu.memory_space<hbm>>, %arg4: memref<100000x128xf32, #tpu.memory_space<hbm>>, %arg5: memref<100000x128xf32, #tpu.memory_space<hbm>>, %arg6: memref<100000x128xf32, #tpu.memory_space<hbm>>, %arg7: memref<100000x128xf32, #tpu.memory_space<hbm>>, %arg8: memref<8192x512xf32, #tpu.memory_space<hbm>>, %arg9: memref<256xi32, #tpu.memory_space<vmem>>, %arg10: memref<256xi32, #tpu.memory_space<vmem>>, %arg11: memref<256x128xf32, #tpu.memory_space<vmem>>, %arg12: memref<256x128xf32, #tpu.memory_space<vmem>>, %arg13: memref<256x128xf32, #tpu.memory_space<vmem>>, %arg14: memref<!tpu.dma_semaphore, #tpu.memory_space<semaphore_mem>>, %arg15: memref<!tpu.dma_semaphore, #tpu.memory_space<semaphore_mem>>, %arg16: memref<!tpu.dma_semaphore, #tpu.memory_space<semaphore_mem>>, %arg17: memref<!tpu.dma_semaphore, #tpu.memory_space<semaphore_mem>>, %arg18: memref<!tpu.dma_semaphore, #tpu.memory_space<semaphore_mem>>, %arg19: memref<!tpu.dma_semaphore, #tpu.memory_space<semaphore_mem>>) attributes {dimension_semantics = [#tpu.dimension_semantics<core_parallel>, #tpu.dimension_semantics<subcore_parallel>], iteration_bounds = array<i64: 2, 16>, scalar_prefetch = 0 : i64, scratch_operands = 11 : i64, tpu.core_type = #tpu.core_type<sc_vector_subcore>, window_params = [{transform_indices = #map}, {transform_indices = #map}, {transform_indices = #map1}, {transform_indices = #map1}, {transform_indices = #map1}, {transform_indices = #map1}, {transform_indices = #map1}]} {
    %mul3A = arith.constant 2 : i32
    %mul3A_0 = arith.muli %arg1, %mul3A : i32
    %add3A = arith.addi %mul3A_0, %arg0 : i32
    %mul3A_1 = arith.constant 256 : i32
    %mul3A_2 = arith.muli %add3A, %mul3A_1 : i32
    %add3A_3 = arith.constant 0 : i32
    %add3A_4 = arith.addi %add3A_3, %mul3A_2 : i32
    %dma_start3A = tpu.memref_slice %arg2[%add3A_4] : memref<16384xi32, #tpu.memory_space<hbm>> -> memref<256xi32, #tpu.memory_space<hbm>>
    %dma_start3A_5 = tpu.memref_slice %arg2[%add3A_4] : memref<16384xi32, #tpu.memory_space<hbm>> -> memref<256xi32, #tpu.memory_space<hbm>>
    tpu.enqueue_dma source(%dma_start3A_5 : memref<256xi32, #tpu.memory_space<hbm>>) target(%arg9 : memref<256xi32, #tpu.memory_space<vmem>>) target_semaphore(%arg14 : memref<!tpu.dma_semaphore, #tpu.memory_space<semaphore_mem>>)
    %add3A_6 = arith.constant 0 : i32
    %add3A_7 = arith.addi %add3A_6, %mul3A_2 : i32
    %dma_start3A_8 = tpu.memref_slice %arg3[%add3A_7] : memref<16384xi32, #tpu.memory_space<hbm>> -> memref<256xi32, #tpu.memory_space<hbm>>
    %dma_start3A_9 = tpu.memref_slice %arg3[%add3A_7] : memref<16384xi32, #tpu.memory_space<hbm>> -> memref<256xi32, #tpu.memory_space<hbm>>
    tpu.enqueue_dma source(%dma_start3A_9 : memref<256xi32, #tpu.memory_space<hbm>>) target(%arg10 : memref<256xi32, #tpu.memory_space<vmem>>) target_semaphore(%arg15 : memref<!tpu.dma_semaphore, #tpu.memory_space<semaphore_mem>>)
    %dma_wait3A = tpu.memref_slice %arg2[%add3A_4] : memref<16384xi32, #tpu.memory_space<hbm>> -> memref<256xi32, #tpu.memory_space<hbm>>
    %dma_wait3A_10 = tpu.memref_slice %arg2[%add3A_4] : memref<16384xi32, #tpu.memory_space<hbm>> -> memref<256xi32, #tpu.memory_space<hbm>>
    tpu.wait_dma2 semaphore(%arg14 : memref<!tpu.dma_semaphore, #tpu.memory_space<semaphore_mem>>) src(%dma_wait3A_10 : memref<256xi32, #tpu.memory_space<hbm>>) dst(%arg9 : memref<256xi32, #tpu.memory_space<vmem>>)
    %dma_wait3A_11 = tpu.memref_slice %arg3[%add3A_7] : memref<16384xi32, #tpu.memory_space<hbm>> -> memref<256xi32, #tpu.memory_space<hbm>>
    %dma_wait3A_12 = tpu.memref_slice %arg3[%add3A_7] : memref<16384xi32, #tpu.memory_space<hbm>> -> memref<256xi32, #tpu.memory_space<hbm>>
    tpu.wait_dma2 semaphore(%arg15 : memref<!tpu.dma_semaphore, #tpu.memory_space<semaphore_mem>>) src(%dma_wait3A_12 : memref<256xi32, #tpu.memory_space<hbm>>) dst(%arg10 : memref<256xi32, #tpu.memory_space<vmem>>)
    %add3A_13 = arith.constant 0 : i32
    %add3A_14 = arith.addi %mul3A_2, %add3A_13 : i32
    %add3A_15 = arith.constant 0 : i32
    %add3A_16 = arith.addi %mul3A_2, %add3A_15 : i32
    %add3A_17 = arith.constant 0 : i32
    %add3A_18 = arith.addi %mul3A_2, %add3A_17 : i32
    %add3A_19 = arith.constant 0 : i32
    %add3A_20 = arith.addi %mul3A_2, %add3A_19 : i32
    %dma_start3A_21 = arith.constant 0 : i32
    %dma_start3A_22 = tpu.memref_slice %arg9[%dma_start3A_21] : memref<256xi32, #tpu.memory_space<vmem>> -> memref<256xi32, #tpu.memory_space<vmem>>
    %dma_start3A_23 = arith.constant 0 : i32
    %dma_start3A_24 = arith.constant 0 : i32
    %dma_start3A_25 = tpu.memref_slice %arg4[%dma_start3A_23, %dma_start3A_24] : memref<100000x128xf32, #tpu.memory_space<hbm>> -> memref<100000x128xf32, #tpu.memory_space<hbm>>
    tpu.enqueue_indirect_dma source(%dma_start3A_25 : memref<100000x128xf32, #tpu.memory_space<hbm>>) target(%arg11 : memref<256x128xf32, #tpu.memory_space<vmem>>) offsets(%dma_start3A_22 : memref<256xi32, #tpu.memory_space<vmem>>) semaphore(%arg14 : memref<!tpu.dma_semaphore, #tpu.memory_space<semaphore_mem>>)
    %dma_start3A_26 = arith.constant 0 : i32
    %dma_start3A_27 = tpu.memref_slice %arg10[%dma_start3A_26] : memref<256xi32, #tpu.memory_space<vmem>> -> memref<256xi32, #tpu.memory_space<vmem>>
    %dma_start3A_28 = arith.constant 0 : i32
    %dma_start3A_29 = arith.constant 0 : i32
    %dma_start3A_30 = tpu.memref_slice %arg5[%dma_start3A_28, %dma_start3A_29] : memref<100000x128xf32, #tpu.memory_space<hbm>> -> memref<100000x128xf32, #tpu.memory_space<hbm>>
    tpu.enqueue_indirect_dma source(%dma_start3A_30 : memref<100000x128xf32, #tpu.memory_space<hbm>>) target(%arg12 : memref<256x128xf32, #tpu.memory_space<vmem>>) offsets(%dma_start3A_27 : memref<256xi32, #tpu.memory_space<vmem>>) semaphore(%arg15 : memref<!tpu.dma_semaphore, #tpu.memory_space<semaphore_mem>>)
    %dma_start3A_31 = arith.constant 0 : i32
    %dma_start3A_32 = tpu.memref_slice %arg9[%dma_start3A_31] : memref<256xi32, #tpu.memory_space<vmem>> -> memref<256xi32, #tpu.memory_space<vmem>>
    %dma_start3A_33 = arith.constant 0 : i32
    %dma_start3A_34 = arith.constant 0 : i32
    %dma_start3A_35 = tpu.memref_slice %arg6[%dma_start3A_33, %dma_start3A_34] : memref<100000x128xf32, #tpu.memory_space<hbm>> -> memref<100000x128xf32, #tpu.memory_space<hbm>>
    tpu.enqueue_indirect_dma source(%dma_start3A_35 : memref<100000x128xf32, #tpu.memory_space<hbm>>) target(%arg13 : memref<256x128xf32, #tpu.memory_space<vmem>>) offsets(%dma_start3A_32 : memref<256xi32, #tpu.memory_space<vmem>>) semaphore(%arg16 : memref<!tpu.dma_semaphore, #tpu.memory_space<semaphore_mem>>)
    %dma_wait3A_36 = arith.constant 0 : i32
    %dma_wait3A_37 = tpu.memref_slice %arg9[%dma_wait3A_36] : memref<256xi32, #tpu.memory_space<vmem>> -> memref<256xi32, #tpu.memory_space<vmem>>
    %dma_wait3A_38 = arith.constant 0 : i32
    %dma_wait3A_39 = arith.constant 0 : i32
    %dma_wait3A_40 = tpu.memref_slice %arg4[%dma_wait3A_38, %dma_wait3A_39] : memref<100000x128xf32, #tpu.memory_space<hbm>> -> memref<100000x128xf32, #tpu.memory_space<hbm>>
    tpu.wait_indirect_dma semaphore(%arg14 : memref<!tpu.dma_semaphore, #tpu.memory_space<semaphore_mem>>) src(%dma_wait3A_40 : memref<100000x128xf32, #tpu.memory_space<hbm>>) dst(%arg11 : memref<256x128xf32, #tpu.memory_space<vmem>>)
    %dma_start3A_41 = arith.constant 0 : i32
    %dma_start3A_42 = tpu.memref_slice %arg8[%add3A_14, %dma_start3A_41] : memref<8192x512xf32, #tpu.memory_space<hbm>> -> memref<256x128xf32, #tpu.memory_space<hbm>>
    %dma_start3A_43 = arith.constant 0 : i32
    %dma_start3A_44 = tpu.memref_slice %arg8[%add3A_14, %dma_start3A_43] : memref<8192x512xf32, #tpu.memory_space<hbm>> -> memref<256x128xf32, #tpu.memory_space<hbm>>
    tpu.enqueue_dma source(%arg11 : memref<256x128xf32, #tpu.memory_space<vmem>>) target(%dma_start3A_44 : memref<256x128xf32, #tpu.memory_space<hbm>>) target_semaphore(%arg17 : memref<!tpu.dma_semaphore, #tpu.memory_space<semaphore_mem>>)
    %dma_wait3A_45 = arith.constant 0 : i32
    %dma_wait3A_46 = tpu.memref_slice %arg8[%add3A_14, %dma_wait3A_45] : memref<8192x512xf32, #tpu.memory_space<hbm>> -> memref<256x128xf32, #tpu.memory_space<hbm>>
    %dma_wait3A_47 = arith.constant 0 : i32
    %dma_wait3A_48 = tpu.memref_slice %arg8[%add3A_14, %dma_wait3A_47] : memref<8192x512xf32, #tpu.memory_space<hbm>> -> memref<256x128xf32, #tpu.memory_space<hbm>>
    tpu.wait_dma2 semaphore(%arg17 : memref<!tpu.dma_semaphore, #tpu.memory_space<semaphore_mem>>) src(%arg11 : memref<256x128xf32, #tpu.memory_space<vmem>>) dst(%dma_wait3A_48 : memref<256x128xf32, #tpu.memory_space<hbm>>)
    %dma_start3A_49 = arith.constant 0 : i32
    %dma_start3A_50 = tpu.memref_slice %arg10[%dma_start3A_49] : memref<256xi32, #tpu.memory_space<vmem>> -> memref<256xi32, #tpu.memory_space<vmem>>
    %dma_start3A_51 = arith.constant 0 : i32
    %dma_start3A_52 = arith.constant 0 : i32
    %dma_start3A_53 = tpu.memref_slice %arg7[%dma_start3A_51, %dma_start3A_52] : memref<100000x128xf32, #tpu.memory_space<hbm>> -> memref<100000x128xf32, #tpu.memory_space<hbm>>
    tpu.enqueue_indirect_dma source(%dma_start3A_53 : memref<100000x128xf32, #tpu.memory_space<hbm>>) target(%arg11 : memref<256x128xf32, #tpu.memory_space<vmem>>) offsets(%dma_start3A_50 : memref<256xi32, #tpu.memory_space<vmem>>) semaphore(%arg14 : memref<!tpu.dma_semaphore, #tpu.memory_space<semaphore_mem>>)
    %dma_wait3A_54 = arith.constant 0 : i32
    %dma_wait3A_55 = tpu.memref_slice %arg10[%dma_wait3A_54] : memref<256xi32, #tpu.memory_space<vmem>> -> memref<256xi32, #tpu.memory_space<vmem>>
    %dma_wait3A_56 = arith.constant 0 : i32
    %dma_wait3A_57 = arith.constant 0 : i32
    %dma_wait3A_58 = tpu.memref_slice %arg5[%dma_wait3A_56, %dma_wait3A_57] : memref<100000x128xf32, #tpu.memory_space<hbm>> -> memref<100000x128xf32, #tpu.memory_space<hbm>>
    tpu.wait_indirect_dma semaphore(%arg15 : memref<!tpu.dma_semaphore, #tpu.memory_space<semaphore_mem>>) src(%dma_wait3A_58 : memref<100000x128xf32, #tpu.memory_space<hbm>>) dst(%arg12 : memref<256x128xf32, #tpu.memory_space<vmem>>)
    %dma_start3A_59 = arith.constant 128 : i32
    %dma_start3A_60 = tpu.memref_slice %arg8[%add3A_16, %dma_start3A_59] : memref<8192x512xf32, #tpu.memory_space<hbm>> -> memref<256x128xf32, #tpu.memory_space<hbm>>
    %dma_start3A_61 = arith.constant 128 : i32
    %dma_start3A_62 = tpu.memref_slice %arg8[%add3A_16, %dma_start3A_61] : memref<8192x512xf32, #tpu.memory_space<hbm>> -> memref<256x128xf32, #tpu.memory_space<hbm>>
    tpu.enqueue_dma source(%arg12 : memref<256x128xf32, #tpu.memory_space<vmem>>) target(%dma_start3A_62 : memref<256x128xf32, #tpu.memory_space<hbm>>) target_semaphore(%arg18 : memref<!tpu.dma_semaphore, #tpu.memory_space<semaphore_mem>>)
    %dma_wait3A_63 = arith.constant 0 : i32
    %dma_wait3A_64 = tpu.memref_slice %arg9[%dma_wait3A_63] : memref<256xi32, #tpu.memory_space<vmem>> -> memref<256xi32, #tpu.memory_space<vmem>>
    %dma_wait3A_65 = arith.constant 0 : i32
    %dma_wait3A_66 = arith.constant 0 : i32
    %dma_wait3A_67 = tpu.memref_slice %arg6[%dma_wait3A_65, %dma_wait3A_66] : memref<100000x128xf32, #tpu.memory_space<hbm>> -> memref<100000x128xf32, #tpu.memory_space<hbm>>
    tpu.wait_indirect_dma semaphore(%arg16 : memref<!tpu.dma_semaphore, #tpu.memory_space<semaphore_mem>>) src(%dma_wait3A_67 : memref<100000x128xf32, #tpu.memory_space<hbm>>) dst(%arg13 : memref<256x128xf32, #tpu.memory_space<vmem>>)
    %dma_start3A_68 = arith.constant 256 : i32
    %dma_start3A_69 = tpu.memref_slice %arg8[%add3A_18, %dma_start3A_68] : memref<8192x512xf32, #tpu.memory_space<hbm>> -> memref<256x128xf32, #tpu.memory_space<hbm>>
    %dma_start3A_70 = arith.constant 256 : i32
    %dma_start3A_71 = tpu.memref_slice %arg8[%add3A_18, %dma_start3A_70] : memref<8192x512xf32, #tpu.memory_space<hbm>> -> memref<256x128xf32, #tpu.memory_space<hbm>>
    tpu.enqueue_dma source(%arg13 : memref<256x128xf32, #tpu.memory_space<vmem>>) target(%dma_start3A_71 : memref<256x128xf32, #tpu.memory_space<hbm>>) target_semaphore(%arg19 : memref<!tpu.dma_semaphore, #tpu.memory_space<semaphore_mem>>)
    %dma_wait3A_72 = arith.constant 0 : i32
    %dma_wait3A_73 = tpu.memref_slice %arg10[%dma_wait3A_72] : memref<256xi32, #tpu.memory_space<vmem>> -> memref<256xi32, #tpu.memory_space<vmem>>
    %dma_wait3A_74 = arith.constant 0 : i32
    %dma_wait3A_75 = arith.constant 0 : i32
    %dma_wait3A_76 = tpu.memref_slice %arg7[%dma_wait3A_74, %dma_wait3A_75] : memref<100000x128xf32, #tpu.memory_space<hbm>> -> memref<100000x128xf32, #tpu.memory_space<hbm>>
    tpu.wait_indirect_dma semaphore(%arg14 : memref<!tpu.dma_semaphore, #tpu.memory_space<semaphore_mem>>) src(%dma_wait3A_76 : memref<100000x128xf32, #tpu.memory_space<hbm>>) dst(%arg11 : memref<256x128xf32, #tpu.memory_space<vmem>>)
    %dma_start3A_77 = arith.constant 384 : i32
    %dma_start3A_78 = tpu.memref_slice %arg8[%add3A_20, %dma_start3A_77] : memref<8192x512xf32, #tpu.memory_space<hbm>> -> memref<256x128xf32, #tpu.memory_space<hbm>>
    %dma_start3A_79 = arith.constant 384 : i32
    %dma_start3A_80 = tpu.memref_slice %arg8[%add3A_20, %dma_start3A_79] : memref<8192x512xf32, #tpu.memory_space<hbm>> -> memref<256x128xf32, #tpu.memory_space<hbm>>
    tpu.enqueue_dma source(%arg11 : memref<256x128xf32, #tpu.memory_space<vmem>>) target(%dma_start3A_80 : memref<256x128xf32, #tpu.memory_space<hbm>>) target_semaphore(%arg17 : memref<!tpu.dma_semaphore, #tpu.memory_space<semaphore_mem>>)
    %dma_wait3A_81 = arith.constant 128 : i32
    %dma_wait3A_82 = tpu.memref_slice %arg8[%add3A_16, %dma_wait3A_81] : memref<8192x512xf32, #tpu.memory_space<hbm>> -> memref<256x128xf32, #tpu.memory_space<hbm>>
    %dma_wait3A_83 = arith.constant 128 : i32
    %dma_wait3A_84 = tpu.memref_slice %arg8[%add3A_16, %dma_wait3A_83] : memref<8192x512xf32, #tpu.memory_space<hbm>> -> memref<256x128xf32, #tpu.memory_space<hbm>>
    tpu.wait_dma2 semaphore(%arg18 : memref<!tpu.dma_semaphore, #tpu.memory_space<semaphore_mem>>) src(%arg12 : memref<256x128xf32, #tpu.memory_space<vmem>>) dst(%dma_wait3A_84 : memref<256x128xf32, #tpu.memory_space<hbm>>)
    %dma_wait3A_85 = arith.constant 256 : i32
    %dma_wait3A_86 = tpu.memref_slice %arg8[%add3A_18, %dma_wait3A_85] : memref<8192x512xf32, #tpu.memory_space<hbm>> -> memref<256x128xf32, #tpu.memory_space<hbm>>
    %dma_wait3A_87 = arith.constant 256 : i32
    %dma_wait3A_88 = tpu.memref_slice %arg8[%add3A_18, %dma_wait3A_87] : memref<8192x512xf32, #tpu.memory_space<hbm>> -> memref<256x128xf32, #tpu.memory_space<hbm>>
    tpu.wait_dma2 semaphore(%arg19 : memref<!tpu.dma_semaphore, #tpu.memory_space<semaphore_mem>>) src(%arg13 : memref<256x128xf32, #tpu.memory_space<vmem>>) dst(%dma_wait3A_88 : memref<256x128xf32, #tpu.memory_space<hbm>>)
    %dma_wait3A_89 = arith.constant 384 : i32
    %dma_wait3A_90 = tpu.memref_slice %arg8[%add3A_20, %dma_wait3A_89] : memref<8192x512xf32, #tpu.memory_space<hbm>> -> memref<256x128xf32, #tpu.memory_space<hbm>>
    %dma_wait3A_91 = arith.constant 384 : i32
    %dma_wait3A_92 = tpu.memref_slice %arg8[%add3A_20, %dma_wait3A_91] : memref<8192x512xf32, #tpu.memory_space<hbm>> -> memref<256x128xf32, #tpu.memory_space<hbm>>
    tpu.wait_dma2 semaphore(%arg17 : memref<!tpu.dma_semaphore, #tpu.memory_space<semaphore_mem>>) src(%arg11 : memref<256x128xf32, #tpu.memory_space<vmem>>) dst(%dma_wait3A_92 : memref<256x128xf32, #tpu.memory_space<hbm>>)
    return
  }
}

module attributes {stable_mosaic.version = 14 : i64} {
  func.func @_mlp_body(%arg0: i32, %arg1: memref<1024x512xf32, #tpu.memory_space<vmem>>, %arg2: memref<256x128xf32, #tpu.memory_space<vmem>>, %arg3: memref<128xf32, #tpu.memory_space<vmem>>, %arg4: memref<128x64xf32, #tpu.memory_space<vmem>>, %arg5: memref<64xf32, #tpu.memory_space<vmem>>, %arg6: memref<64x32xf32, #tpu.memory_space<vmem>>, %arg7: memref<32xf32, #tpu.memory_space<vmem>>, %arg8: memref<160x1xf32, #tpu.memory_space<vmem>>, %arg9: memref<1xf32, #tpu.memory_space<smem>>, %arg10: memref<16384xf32, #tpu.memory_space<any>>, %arg11: memref<1024xf32, #tpu.memory_space<vmem>>) attributes {dimension_semantics = [#tpu.dimension_semantics<arbitrary>], iteration_bounds = array<i64: 8>, scalar_prefetch = 0 : i64, scratch_operands = 0 : i64, tpu.core_type = #tpu.core_type<tc>, window_params = [{transform_indices = @transform_0, window_bounds = array<i64: 1024, 512>}, {pipeline_mode = #tpu.pipeline_mode<synchronous>, transform_indices = @transform_1, window_bounds = array<i64: 256, 128>}, {pipeline_mode = #tpu.pipeline_mode<synchronous>, transform_indices = @transform_2, window_bounds = array<i64: 128>}, {pipeline_mode = #tpu.pipeline_mode<synchronous>, transform_indices = @transform_3, window_bounds = array<i64: 128, 64>}, {pipeline_mode = #tpu.pipeline_mode<synchronous>, transform_indices = @transform_4, window_bounds = array<i64: 64>}, {pipeline_mode = #tpu.pipeline_mode<synchronous>, transform_indices = @transform_5, window_bounds = array<i64: 64, 32>}, {pipeline_mode = #tpu.pipeline_mode<synchronous>, transform_indices = @transform_6, window_bounds = array<i64: 32>}, {pipeline_mode = #tpu.pipeline_mode<synchronous>, transform_indices = @transform_7, window_bounds = array<i64: 160, 1>}, {transform_indices = @transform_8, window_bounds = array<i64: 1>}, {}, {transform_indices = @transform_10, window_bounds = array<i64: 1024>}]} {
    %get3A = arith.constant 0 : index
    %get3A_0 = arith.constant 0 : index
    %get3A_1 = vector.load %arg1[%get3A, %get3A_0] : memref<1024x512xf32, #tpu.memory_space<vmem>>, vector<1024x256xf32>
    %get3A_2 = arith.constant 0 : index
    %get3A_3 = arith.constant 0 : index
    %get3A_4 = vector.load %arg2[%get3A_2, %get3A_3] : memref<256x128xf32, #tpu.memory_space<vmem>>, vector<256x128xf32>
    %dot_general3A = arith.constant dense<0.000000e+00> : vector<1024x128xf32>
    %dot_general3A_5 = tpu.matmul %get3A_1, %get3A_4, %dot_general3A {dimension_numbers = #tpu.dot_dimension_numbers<[1], [0], [0], [1], [0, 0, 1, 1], [], []>, transpose_lhs_hint = false} : vector<1024x256xf32>, vector<256x128xf32>, vector<1024x128xf32> -> vector<1024x128xf32>
    %get3A_6 = arith.constant 0 : index
    %get3A_7 = vector.load %arg3[%get3A_6] : memref<128xf32, #tpu.memory_space<vmem>>, vector<128xf32>
    %broadcast_in_dim3A = vector.shape_cast %get3A_7 : vector<128xf32> to vector<1x128xf32>
    %add3A = vector.broadcast %broadcast_in_dim3A : vector<1x128xf32> to vector<1024x128xf32>
    %add3A_8 = arith.addf %dot_general3A_5, %add3A : vector<1024x128xf32>
    %max3A = arith.constant 0.000000e+00 : f32
    %max3A_9 = vector.broadcast %max3A : f32 to vector<1024x128xf32>
    %max3A_10 = arith.maximumf %add3A_8, %max3A_9 : vector<1024x128xf32>
    %get3A_11 = arith.constant 0 : index
    %get3A_12 = arith.constant 0 : index
    %get3A_13 = vector.load %arg4[%get3A_11, %get3A_12] : memref<128x64xf32, #tpu.memory_space<vmem>>, vector<128x64xf32>
    %dot_general3A_14 = arith.constant dense<0.000000e+00> : vector<1024x64xf32>
    %dot_general3A_15 = tpu.matmul %max3A_10, %get3A_13, %dot_general3A_14 {dimension_numbers = #tpu.dot_dimension_numbers<[1], [0], [0], [1], [0, 0, 1, 1], [], []>, transpose_lhs_hint = false} : vector<1024x128xf32>, vector<128x64xf32>, vector<1024x64xf32> -> vector<1024x64xf32>
    %get3A_16 = arith.constant 0 : index
    %get3A_17 = vector.load %arg5[%get3A_16] : memref<64xf32, #tpu.memory_space<vmem>>, vector<64xf32>
    %broadcast_in_dim3A_18 = vector.shape_cast %get3A_17 : vector<64xf32> to vector<1x64xf32>
    %add3A_19 = vector.broadcast %broadcast_in_dim3A_18 : vector<1x64xf32> to vector<1024x64xf32>
    %add3A_20 = arith.addf %dot_general3A_15, %add3A_19 : vector<1024x64xf32>
    %max3A_21 = arith.constant 0.000000e+00 : f32
    %max3A_22 = vector.broadcast %max3A_21 : f32 to vector<1024x64xf32>
    %max3A_23 = arith.maximumf %add3A_20, %max3A_22 : vector<1024x64xf32>
    %get3A_24 = arith.constant 0 : index
    %get3A_25 = arith.constant 0 : index
    %get3A_26 = vector.load %arg6[%get3A_24, %get3A_25] : memref<64x32xf32, #tpu.memory_space<vmem>>, vector<64x32xf32>
    %dot_general3A_27 = arith.constant dense<0.000000e+00> : vector<1024x32xf32>
    %dot_general3A_28 = tpu.matmul %max3A_23, %get3A_26, %dot_general3A_27 {dimension_numbers = #tpu.dot_dimension_numbers<[1], [0], [0], [1], [0, 0, 1, 1], [], []>, transpose_lhs_hint = false} : vector<1024x64xf32>, vector<64x32xf32>, vector<1024x32xf32> -> vector<1024x32xf32>
    %get3A_29 = arith.constant 0 : index
    %get3A_30 = vector.load %arg7[%get3A_29] : memref<32xf32, #tpu.memory_space<vmem>>, vector<32xf32>
    %broadcast_in_dim3A_31 = vector.shape_cast %get3A_30 : vector<32xf32> to vector<1x32xf32>
    %add3A_32 = vector.broadcast %broadcast_in_dim3A_31 : vector<1x32xf32> to vector<1024x32xf32>
    %add3A_33 = arith.addf %dot_general3A_28, %add3A_32 : vector<1024x32xf32>
    %max3A_34 = arith.constant 0.000000e+00 : f32
    %max3A_35 = vector.broadcast %max3A_34 : f32 to vector<1024x32xf32>
    %max3A_36 = arith.maximumf %add3A_33, %max3A_35 : vector<1024x32xf32>
    %get3A_37 = arith.constant 0 : index
    %get3A_38 = arith.constant 256 : index
    %get3A_39 = vector.load %arg1[%get3A_37, %get3A_38] : memref<1024x512xf32, #tpu.memory_space<vmem>>, vector<1024x128xf32>
    %get3A_40 = arith.constant 0 : index
    %get3A_41 = arith.constant 384 : index
    %get3A_42 = vector.load %arg1[%get3A_40, %get3A_41] : memref<1024x512xf32, #tpu.memory_space<vmem>>, vector<1024x128xf32>
    %mul3A = arith.mulf %get3A_39, %get3A_42 : vector<1024x128xf32>
    %get3A_43 = arith.constant 0 : index
    %get3A_44 = arith.constant 0 : index
    %get3A_45 = vector.load %arg8[%get3A_43, %get3A_44] : memref<160x1xf32, #tpu.memory_space<vmem>>, vector<128x1xf32>
    %dot_general3A_46 = arith.constant dense<0.000000e+00> : vector<1024x1xf32>
    %dot_general3A_47 = tpu.matmul %mul3A, %get3A_45, %dot_general3A_46 {dimension_numbers = #tpu.dot_dimension_numbers<[1], [0], [0], [1], [0, 0, 1, 1], [], []>, transpose_lhs_hint = false} : vector<1024x128xf32>, vector<128x1xf32>, vector<1024x1xf32> -> vector<1024x1xf32>
    %get3A_48 = arith.constant 128 : index
    %get3A_49 = arith.constant 0 : index
    %get3A_50 = vector.load %arg8[%get3A_48, %get3A_49] : memref<160x1xf32, #tpu.memory_space<vmem>>, vector<32x1xf32>
    %dot_general3A_51 = arith.constant dense<0.000000e+00> : vector<1024x1xf32>
    %dot_general3A_52 = tpu.matmul %max3A_36, %get3A_50, %dot_general3A_51 {dimension_numbers = #tpu.dot_dimension_numbers<[1], [0], [0], [1], [0, 0, 1, 1], [], []>, transpose_lhs_hint = false} : vector<1024x32xf32>, vector<32x1xf32>, vector<1024x1xf32> -> vector<1024x1xf32>
    %add3A_53 = arith.addf %dot_general3A_47, %dot_general3A_52 : vector<1024x1xf32>
    %get3A_54 = arith.constant 0 : index
    %get3A_55 = memref.load %arg9[%get3A_54] : memref<1xf32, #tpu.memory_space<smem>>
    %add3A_56 = vector.broadcast %get3A_55 : f32 to vector<1024x1xf32>
    %add3A_57 = arith.addf %add3A_53, %add3A_56 : vector<1024x1xf32>
    %squeeze3A = vector.shape_cast %add3A_57 : vector<1024x1xf32> to vector<1024xf32>
    %logistic3A = arith.negf %squeeze3A : vector<1024xf32>
    %logistic3A_58 = math.exp %logistic3A : vector<1024xf32>
    %logistic3A_59 = arith.constant 1.000000e+00 : f32
    %logistic3A_60 = vector.broadcast %logistic3A_59 : f32 to vector<1024xf32>
    %logistic3A_61 = arith.addf %logistic3A_60, %logistic3A_58 : vector<1024xf32>
    %logistic3A_62 = arith.divf %logistic3A_60, %logistic3A_61 : vector<1024xf32>
    %swap3A = arith.constant 0 : index
    %swap3A_63 = vector.load %arg11[%swap3A] : memref<1024xf32, #tpu.memory_space<vmem>>, vector<1024xf32>
    tpu.vector_store %arg11[%swap3A], %logistic3A_62 {strides = array<i32>} : memref<1024xf32, #tpu.memory_space<vmem>>, vector<1024xf32>,
    return
  }
  func.func @transform_0(%arg0: i32) -> (i32, i32) {
    %c0_i32 = arith.constant 0 : i32
    %c0_i32_0 = arith.constant 0 : i32
    return %arg0, %c0_i32 : i32, i32
  }
  func.func @transform_1(%arg0: i32) -> (i32, i32) {
    %c0_i32 = arith.constant 0 : i32
    %c0_i32_0 = arith.constant 0 : i32
    %c0_i32_1 = arith.constant 0 : i32
    return %c0_i32, %c0_i32_0 : i32, i32
  }
  func.func @transform_2(%arg0: i32) -> i32 {
    %c0_i32 = arith.constant 0 : i32
    %c0_i32_0 = arith.constant 0 : i32
    return %c0_i32 : i32
  }
  func.func @transform_3(%arg0: i32) -> (i32, i32) {
    %c0_i32 = arith.constant 0 : i32
    %c0_i32_0 = arith.constant 0 : i32
    %c0_i32_1 = arith.constant 0 : i32
    return %c0_i32, %c0_i32_0 : i32, i32
  }
  func.func @transform_4(%arg0: i32) -> i32 {
    %c0_i32 = arith.constant 0 : i32
    %c0_i32_0 = arith.constant 0 : i32
    return %c0_i32 : i32
  }
  func.func @transform_5(%arg0: i32) -> (i32, i32) {
    %c0_i32 = arith.constant 0 : i32
    %c0_i32_0 = arith.constant 0 : i32
    %c0_i32_1 = arith.constant 0 : i32
    return %c0_i32, %c0_i32_0 : i32, i32
  }
  func.func @transform_6(%arg0: i32) -> i32 {
    %c0_i32 = arith.constant 0 : i32
    %c0_i32_0 = arith.constant 0 : i32
    return %c0_i32 : i32
  }
  func.func @transform_7(%arg0: i32) -> (i32, i32) {
    %c0_i32 = arith.constant 0 : i32
    %c0_i32_0 = arith.constant 0 : i32
    %c0_i32_1 = arith.constant 0 : i32
    return %c0_i32, %c0_i32_0 : i32, i32
  }
  func.func @transform_8(%arg0: i32) -> i32 {
    %c0_i32 = arith.constant 0 : i32
    %c0_i32_0 = arith.constant 0 : i32
    return %c0_i32 : i32
  }
  func.func @transform_10(%arg0: i32) -> i32 {
    %add3A = arith.constant 8 : i32
    %add3A_0 = arith.addi %arg0, %add3A : i32
    %c0_i32 = arith.constant 0 : i32
    return %add3A_0 : i32
  }
}

module attributes {stable_mosaic.version = 14 : i64} {
  func.func @_mlp_body_first(%arg0: i32, %arg1: memref<1024x512xf32, #tpu.memory_space<vmem>>, %arg2: memref<256x128xf32, #tpu.memory_space<vmem>>, %arg3: memref<128xf32, #tpu.memory_space<vmem>>, %arg4: memref<128x64xf32, #tpu.memory_space<vmem>>, %arg5: memref<64xf32, #tpu.memory_space<vmem>>, %arg6: memref<64x32xf32, #tpu.memory_space<vmem>>, %arg7: memref<32xf32, #tpu.memory_space<vmem>>, %arg8: memref<160x1xf32, #tpu.memory_space<vmem>>, %arg9: memref<1xf32, #tpu.memory_space<smem>>, %arg10: memref<1024xf32, #tpu.memory_space<vmem>>) attributes {dimension_semantics = [#tpu.dimension_semantics<arbitrary>], iteration_bounds = array<i64: 8>, scalar_prefetch = 0 : i64, scratch_operands = 0 : i64, tpu.core_type = #tpu.core_type<tc>, window_params = [{transform_indices = @transform_0, window_bounds = array<i64: 1024, 512>}, {pipeline_mode = #tpu.pipeline_mode<synchronous>, transform_indices = @transform_1, window_bounds = array<i64: 256, 128>}, {pipeline_mode = #tpu.pipeline_mode<synchronous>, transform_indices = @transform_2, window_bounds = array<i64: 128>}, {pipeline_mode = #tpu.pipeline_mode<synchronous>, transform_indices = @transform_3, window_bounds = array<i64: 128, 64>}, {pipeline_mode = #tpu.pipeline_mode<synchronous>, transform_indices = @transform_4, window_bounds = array<i64: 64>}, {pipeline_mode = #tpu.pipeline_mode<synchronous>, transform_indices = @transform_5, window_bounds = array<i64: 64, 32>}, {pipeline_mode = #tpu.pipeline_mode<synchronous>, transform_indices = @transform_6, window_bounds = array<i64: 32>}, {pipeline_mode = #tpu.pipeline_mode<synchronous>, transform_indices = @transform_7, window_bounds = array<i64: 160, 1>}, {transform_indices = @transform_8, window_bounds = array<i64: 1>}, {transform_indices = @transform_9, window_bounds = array<i64: 1024>}]} {
    %get3A = arith.constant 0 : index
    %get3A_0 = arith.constant 0 : index
    %get3A_1 = vector.load %arg1[%get3A, %get3A_0] : memref<1024x512xf32, #tpu.memory_space<vmem>>, vector<1024x256xf32>
    %get3A_2 = arith.constant 0 : index
    %get3A_3 = arith.constant 0 : index
    %get3A_4 = vector.load %arg2[%get3A_2, %get3A_3] : memref<256x128xf32, #tpu.memory_space<vmem>>, vector<256x128xf32>
    %dot_general3A = arith.constant dense<0.000000e+00> : vector<1024x128xf32>
    %dot_general3A_5 = tpu.matmul %get3A_1, %get3A_4, %dot_general3A {dimension_numbers = #tpu.dot_dimension_numbers<[1], [0], [0], [1], [0, 0, 1, 1], [], []>, transpose_lhs_hint = false} : vector<1024x256xf32>, vector<256x128xf32>, vector<1024x128xf32> -> vector<1024x128xf32>
    %get3A_6 = arith.constant 0 : index
    %get3A_7 = vector.load %arg3[%get3A_6] : memref<128xf32, #tpu.memory_space<vmem>>, vector<128xf32>
    %broadcast_in_dim3A = vector.shape_cast %get3A_7 : vector<128xf32> to vector<1x128xf32>
    %add3A = vector.broadcast %broadcast_in_dim3A : vector<1x128xf32> to vector<1024x128xf32>
    %add3A_8 = arith.addf %dot_general3A_5, %add3A : vector<1024x128xf32>
    %max3A = arith.constant 0.000000e+00 : f32
    %max3A_9 = vector.broadcast %max3A : f32 to vector<1024x128xf32>
    %max3A_10 = arith.maximumf %add3A_8, %max3A_9 : vector<1024x128xf32>
    %get3A_11 = arith.constant 0 : index
    %get3A_12 = arith.constant 0 : index
    %get3A_13 = vector.load %arg4[%get3A_11, %get3A_12] : memref<128x64xf32, #tpu.memory_space<vmem>>, vector<128x64xf32>
    %dot_general3A_14 = arith.constant dense<0.000000e+00> : vector<1024x64xf32>
    %dot_general3A_15 = tpu.matmul %max3A_10, %get3A_13, %dot_general3A_14 {dimension_numbers = #tpu.dot_dimension_numbers<[1], [0], [0], [1], [0, 0, 1, 1], [], []>, transpose_lhs_hint = false} : vector<1024x128xf32>, vector<128x64xf32>, vector<1024x64xf32> -> vector<1024x64xf32>
    %get3A_16 = arith.constant 0 : index
    %get3A_17 = vector.load %arg5[%get3A_16] : memref<64xf32, #tpu.memory_space<vmem>>, vector<64xf32>
    %broadcast_in_dim3A_18 = vector.shape_cast %get3A_17 : vector<64xf32> to vector<1x64xf32>
    %add3A_19 = vector.broadcast %broadcast_in_dim3A_18 : vector<1x64xf32> to vector<1024x64xf32>
    %add3A_20 = arith.addf %dot_general3A_15, %add3A_19 : vector<1024x64xf32>
    %max3A_21 = arith.constant 0.000000e+00 : f32
    %max3A_22 = vector.broadcast %max3A_21 : f32 to vector<1024x64xf32>
    %max3A_23 = arith.maximumf %add3A_20, %max3A_22 : vector<1024x64xf32>
    %get3A_24 = arith.constant 0 : index
    %get3A_25 = arith.constant 0 : index
    %get3A_26 = vector.load %arg6[%get3A_24, %get3A_25] : memref<64x32xf32, #tpu.memory_space<vmem>>, vector<64x32xf32>
    %dot_general3A_27 = arith.constant dense<0.000000e+00> : vector<1024x32xf32>
    %dot_general3A_28 = tpu.matmul %max3A_23, %get3A_26, %dot_general3A_27 {dimension_numbers = #tpu.dot_dimension_numbers<[1], [0], [0], [1], [0, 0, 1, 1], [], []>, transpose_lhs_hint = false} : vector<1024x64xf32>, vector<64x32xf32>, vector<1024x32xf32> -> vector<1024x32xf32>
    %get3A_29 = arith.constant 0 : index
    %get3A_30 = vector.load %arg7[%get3A_29] : memref<32xf32, #tpu.memory_space<vmem>>, vector<32xf32>
    %broadcast_in_dim3A_31 = vector.shape_cast %get3A_30 : vector<32xf32> to vector<1x32xf32>
    %add3A_32 = vector.broadcast %broadcast_in_dim3A_31 : vector<1x32xf32> to vector<1024x32xf32>
    %add3A_33 = arith.addf %dot_general3A_28, %add3A_32 : vector<1024x32xf32>
    %max3A_34 = arith.constant 0.000000e+00 : f32
    %max3A_35 = vector.broadcast %max3A_34 : f32 to vector<1024x32xf32>
    %max3A_36 = arith.maximumf %add3A_33, %max3A_35 : vector<1024x32xf32>
    %get3A_37 = arith.constant 0 : index
    %get3A_38 = arith.constant 256 : index
    %get3A_39 = vector.load %arg1[%get3A_37, %get3A_38] : memref<1024x512xf32, #tpu.memory_space<vmem>>, vector<1024x128xf32>
    %get3A_40 = arith.constant 0 : index
    %get3A_41 = arith.constant 384 : index
    %get3A_42 = vector.load %arg1[%get3A_40, %get3A_41] : memref<1024x512xf32, #tpu.memory_space<vmem>>, vector<1024x128xf32>
    %mul3A = arith.mulf %get3A_39, %get3A_42 : vector<1024x128xf32>
    %get3A_43 = arith.constant 0 : index
    %get3A_44 = arith.constant 0 : index
    %get3A_45 = vector.load %arg8[%get3A_43, %get3A_44] : memref<160x1xf32, #tpu.memory_space<vmem>>, vector<128x1xf32>
    %dot_general3A_46 = arith.constant dense<0.000000e+00> : vector<1024x1xf32>
    %dot_general3A_47 = tpu.matmul %mul3A, %get3A_45, %dot_general3A_46 {dimension_numbers = #tpu.dot_dimension_numbers<[1], [0], [0], [1], [0, 0, 1, 1], [], []>, transpose_lhs_hint = false} : vector<1024x128xf32>, vector<128x1xf32>, vector<1024x1xf32> -> vector<1024x1xf32>
    %get3A_48 = arith.constant 128 : index
    %get3A_49 = arith.constant 0 : index
    %get3A_50 = vector.load %arg8[%get3A_48, %get3A_49] : memref<160x1xf32, #tpu.memory_space<vmem>>, vector<32x1xf32>
    %dot_general3A_51 = arith.constant dense<0.000000e+00> : vector<1024x1xf32>
    %dot_general3A_52 = tpu.matmul %max3A_36, %get3A_50, %dot_general3A_51 {dimension_numbers = #tpu.dot_dimension_numbers<[1], [0], [0], [1], [0, 0, 1, 1], [], []>, transpose_lhs_hint = false} : vector<1024x32xf32>, vector<32x1xf32>, vector<1024x1xf32> -> vector<1024x1xf32>
    %add3A_53 = arith.addf %dot_general3A_47, %dot_general3A_52 : vector<1024x1xf32>
    %get3A_54 = arith.constant 0 : index
    %get3A_55 = memref.load %arg9[%get3A_54] : memref<1xf32, #tpu.memory_space<smem>>
    %add3A_56 = vector.broadcast %get3A_55 : f32 to vector<1024x1xf32>
    %add3A_57 = arith.addf %add3A_53, %add3A_56 : vector<1024x1xf32>
    %squeeze3A = vector.shape_cast %add3A_57 : vector<1024x1xf32> to vector<1024xf32>
    %logistic3A = arith.negf %squeeze3A : vector<1024xf32>
    %logistic3A_58 = math.exp %logistic3A : vector<1024xf32>
    %logistic3A_59 = arith.constant 1.000000e+00 : f32
    %logistic3A_60 = vector.broadcast %logistic3A_59 : f32 to vector<1024xf32>
    %logistic3A_61 = arith.addf %logistic3A_60, %logistic3A_58 : vector<1024xf32>
    %logistic3A_62 = arith.divf %logistic3A_60, %logistic3A_61 : vector<1024xf32>
    %swap3A = arith.constant 0 : index
    %swap3A_63 = vector.load %arg10[%swap3A] : memref<1024xf32, #tpu.memory_space<vmem>>, vector<1024xf32>
    tpu.vector_store %arg10[%swap3A], %logistic3A_62 {strides = array<i32>} : memref<1024xf32, #tpu.memory_space<vmem>>, vector<1024xf32>,
    return
  }
  func.func @transform_0(%arg0: i32) -> (i32, i32) {
    %c0_i32 = arith.constant 0 : i32
    %c0_i32_0 = arith.constant 0 : i32
    return %arg0, %c0_i32 : i32, i32
  }
  func.func @transform_1(%arg0: i32) -> (i32, i32) {
    %c0_i32 = arith.constant 0 : i32
    %c0_i32_0 = arith.constant 0 : i32
    %c0_i32_1 = arith.constant 0 : i32
    return %c0_i32, %c0_i32_0 : i32, i32
  }
  func.func @transform_2(%arg0: i32) -> i32 {
    %c0_i32 = arith.constant 0 : i32
    %c0_i32_0 = arith.constant 0 : i32
    return %c0_i32 : i32
  }
  func.func @transform_3(%arg0: i32) -> (i32, i32) {
    %c0_i32 = arith.constant 0 : i32
    %c0_i32_0 = arith.constant 0 : i32
    %c0_i32_1 = arith.constant 0 : i32
    return %c0_i32, %c0_i32_0 : i32, i32
  }
  func.func @transform_4(%arg0: i32) -> i32 {
    %c0_i32 = arith.constant 0 : i32
    %c0_i32_0 = arith.constant 0 : i32
    return %c0_i32 : i32
  }
  func.func @transform_5(%arg0: i32) -> (i32, i32) {
    %c0_i32 = arith.constant 0 : i32
    %c0_i32_0 = arith.constant 0 : i32
    %c0_i32_1 = arith.constant 0 : i32
    return %c0_i32, %c0_i32_0 : i32, i32
  }
  func.func @transform_6(%arg0: i32) -> i32 {
    %c0_i32 = arith.constant 0 : i32
    %c0_i32_0 = arith.constant 0 : i32
    return %c0_i32 : i32
  }
  func.func @transform_7(%arg0: i32) -> (i32, i32) {
    %c0_i32 = arith.constant 0 : i32
    %c0_i32_0 = arith.constant 0 : i32
    %c0_i32_1 = arith.constant 0 : i32
    return %c0_i32, %c0_i32_0 : i32, i32
  }
  func.func @transform_8(%arg0: i32) -> i32 {
    %c0_i32 = arith.constant 0 : i32
    %c0_i32_0 = arith.constant 0 : i32
    return %c0_i32 : i32
  }
  func.func @transform_9(%arg0: i32) -> i32 {
    %add3A = arith.constant 0 : i32
    %add3A_0 = arith.addi %arg0, %add3A : i32
    %c0_i32 = arith.constant 0 : i32
    return %add3A_0 : i32
  }
}

</mosaic_0001>

<sc_bundles>
// kernel: kernel.6.cloned.1.call-start
scs
__scs_entry_jumppad:
0x0: {  	(pc) =	sbr.rel $0x88, $3  }
0x1: {  	(tag) =	ssettag $0x0;
	lr =	simm.s32 $0x1  }
0x2: {  	[smem:$0x3F92] =	sst lr;
	_ =	strace $0xD0000000  }
0x3: {  	_ = 	snop  }
0x4: {  	_ = 	snop  }
0x5: {  	_ = 	snop  }
0x6: {  	_ = 	snop  }
0x7: {  	_ = 	snop  }
__scs_overlays_trampoline_lowered:
0x8: {  	[smem:$0x3FA1] =	sst s0  }
0x9: {  	[smem:$0x3FA2] =	sst s1  }
0xa: {  	[smem:$0x3FA3] =	sst s2  }
0xb: {  	[smem:$0x3FA4] =	sst s3  }
0xc: {  	[smem:$0x3FA5] =	sst s4  }
0xd: {  	[smem:$0x3FA6] =	sst s5  }
0xe: {  	[smem:$0x3FA7] =	sst s6  }
0xf: {  	[smem:$0x3FA8] =	sst s7  }
0x10: {  	[smem:$0x3FA9] =	sst s8  }
0x11: {  	[smem:$0x3FAA] =	sst s9;
	s0 =	simm.s32 @!p0 $0x0  }
0x12: {  	s1 =	sld [smem:$0x3F90];
	s0 =	simm.s32 @p0 $0x1  }
0x13: {  	[smem:$0x3FAB] =	sst s0;
	s0 =	simm.s32 @!p1 $0x0  }
0x14: {  	s2 =	sld [smem:$0x3F8F];
	s0 =	simm.s32 @p1 $0x1  }
0x15: {  	[smem:$0x3FAC] =	sst s0;
	s0 =	simm.s32 @!p2 $0x0  }
0x16: {  	s3 =	sld [smem:$0x3FDB];
	s0 =	simm.s32 @p2 $0x1  }
0x17: {  	s4 =	simm.s32 $0x1BF5;
	[smem:$0x3FAE] =	sst s0  }
0x18: {  	s0 =	sld [smem:$0x3F91];
	_ =	swait.ge [sflag:s4], $0x0  }
0x19: {  	s7 =	sld [smem:$0x3F92]  }
0x1a: {  	s8 =	sadd.s32 $0xFFFFE003, lr  }
0x1b: {  	s9 =	sadd.s32 $0xFFFFFEF7, lr;
	s5 =	simm.s32 $0xFFFFFFFF;
	p2 =	slt.u32 s8, $0xFFFFF086  }
0x1c: {  	p1 =	slt.u32 s9, $0xF7A;
	s5 =	simm.s32 @!p2 $0x0  }
0x1d: {  	s5 =	simm.s32 @p1 $0x1;
	p0 =	seq.s32 s7, s2  }
0x1e: {  	s7 =	smul.u32 @!p0 $0xF7A, s2;
	p2 =	seq.s32 @!p0 s5, $0x0  }
0x1f: {  	s9 =	smul.u32 $0xF7A, s1;
	s8 =	simm.s32 @!p0 $0x1BF5;
	p2 =	por !p2, p0  }
0x20: {  	[sflag:s8] =	ssyncset.s32 @!p0 $0xFFFFF086;
	s6 =	sadd.s32 @!p0 s3, s7;
	s7 =	simm.s32 @!p0 $0x108  }
0x21: {  	s3 =	sadd.s32 s3, s9;
	s6 =	sadd.s32 @!p0 $0x88, s6;
	s7 =	simm.s32 @p2 $0x1082  }
0x22: {  	[simem:s7], [sflag:s8] =	dma.local @!p0 [hbm:s6], $0xF7A  }
0x23: {  	s9 =	sor.u32 $0xD0000000, s2;
	s6 =	simm.s32 $0x108;
	_ =	swait.ge @!p0 [sflag:s8], $0x0  }
0x24: {  	s3 =	sadd.s32 $0x88, s3;
	s6 =	simm.s32 @!p1 $0x1082;
	[sflag:s4] =	ssyncset.s32 $0xFFFFF086  }
0x25: {  	[simem:s6], [sflag:s4] =	dma.local [hbm:s3], $0xF7A  }
0x26: {  	[smem:$0x3F92] =	sst s1;
	(tag) =	ssettag s2;
	_ =	strace s9  }
0x27: {  	s1 =	sld [smem:$0x3FA2]  }
0x28: {  	s2 =	sld [smem:$0x3FA3]  }
0x29: {  	s4 =	sld [smem:$0x3FA5]  }
0x2a: {  	p0 =	seq.s32 s5, $0x0;
	s5 =	sld [smem:$0x3FA6]  }
0x2b: {  	s6 =	sld [smem:$0x3FA7]  }
0x2c: {  	s7 =	sld [smem:$0x3FA8]  }
0x2d: {  	s3 =	simm.s32 $0x108;
	s8 =	sld [smem:$0x3FA9]  }
0x2e: {  	s3 =	simm.s32 @!p0 $0x1082;
	s9 =	sld [smem:$0x3FAA]  }
0x2f: {  	lr =	sadd.s32 s0, s3;
	s0 =	sld [smem:$0x3FA1]  }
0x30: {  	s3 =	sld [smem:$0x3FA4]  }
0x31: {  	[smem:$0x3FAD] =	sst s10  }
0x32: {  	s10 =	sld [smem:$0x3FAB];
	_ =	sdelay $0x3  }
0x33: {  	p0 =	seq.s32 s10, $0x1;
	s10 =	sld [smem:$0x3FAD];
	_ =	sdelay $0x3  }
0x34: {  	[smem:$0x3FAD] =	sst s10  }
0x35: {  	s10 =	sld [smem:$0x3FAC];
	_ =	sdelay $0x3  }
0x36: {  	p1 =	seq.s32 s10, $0x1;
	s10 =	sld [smem:$0x3FAD];
	_ =	sdelay $0x3  }
0x37: {  	[smem:$0x3FAD] =	sst s10  }
0x38: {  	s10 =	sld [smem:$0x3FAE]  }
0x39: {  	_ = 	snop;
	(pc) =	sbr.ind lr, $3  }
0x3a: {  	_ = 	snop  }
0x3b: {  	_ = 	snop  }
0x3c: {  	p2 =	seq.s32 s10, $0x1;
	s10 =	sld [smem:$0x3FAD]  }
0x3d: {  	_ =	shalt  }
0x3e: {  	_ =	shalt  }
0x3f: {  	_ =	shalt  }
0x40: {  	_ =	shalt  }
0x41: {  	_ =	shalt  }
0x42: {  	_ =	shalt  }
0x43: {  	_ =	shalt  }
0x44: {  	_ =	shalt  }
0x45: {  	_ =	shalt  }
0x46: {  	_ =	shalt  }
0x47: {  	_ =	shalt  }
0x48: {  	_ =	shalt  }
0x49: {  	_ =	shalt  }
0x4a: {  	_ =	shalt  }
0x4b: {  	_ =	shalt  }
0x4c: {  	_ =	shalt  }
0x4d: {  	_ =	shalt  }
0x4e: {  	_ =	shalt  }
0x4f: {  	_ =	shalt  }
0x50: {  	_ =	shalt  }
0x51: {  	_ =	shalt  }
0x52: {  	_ =	shalt  }
0x53: {  	_ =	shalt  }
0x54: {  	_ =	shalt  }
0x55: {  	_ =	shalt  }
0x56: {  	_ =	shalt  }
0x57: {  	_ =	shalt  }
0x58: {  	_ =	shalt  }
0x59: {  	_ =	shalt  }
0x5a: {  	_ =	shalt  }
0x5b: {  	_ =	shalt  }
0x5c: {  	_ =	shalt  }
0x5d: {  	_ =	shalt  }
0x5e: {  	_ =	shalt  }
0x5f: {  	_ =	shalt  }
0x60: {  	_ =	shalt  }
0x61: {  	_ =	shalt  }
0x62: {  	_ =	shalt  }
0x63: {  	_ =	shalt  }
0x64: {  	_ =	shalt  }
0x65: {  	_ =	shalt  }
0x66: {  	_ =	shalt  }
0x67: {  	_ =	shalt  }
0x68: {  	_ =	shalt  }
0x69: {  	_ =	shalt  }
0x6a: {  	_ =	shalt  }
0x6b: {  	_ =	shalt  }
0x6c: {  	_ =	shalt  }
0x6d: {  	_ =	shalt  }
0x6e: {  	_ =	shalt  }
0x6f: {  	_ =	shalt  }
0x70: {  	_ =	shalt  }
0x71: {  	_ =	shalt  }
0x72: {  	_ =	shalt  }
0x73: {  	_ =	shalt  }
0x74: {  	_ =	shalt  }
0x75: {  	_ =	shalt  }
0x76: {  	_ =	shalt  }
0x77: {  	_ =	shalt  }
0x78: {  	_ =	shalt  }
0x79: {  	_ =	shalt  }
0x7a: {  	_ =	shalt  }
0x7b: {  	_ =	shalt  }
0x7c: {  	_ =	shalt  }
0x7d: {  	_ =	shalt  }
0x7e: {  	_ =	shalt  }
0x7f: {  	_ =	shalt  }
0x80: {  	_ =	shalt  }
0x81: {  	_ =	shalt  }
0x82: {  	_ =	shalt  }
0x83: {  	_ =	shalt  }
0x84: {  	_ =	shalt  }
0x85: {  	_ =	shalt  }
0x86: {  	_ =	shalt  }
0x87: {  	_ =	shalt  }
.Lfunc_end0:
.L_simem_size_0:
called_computation_lowered:
.L_overlay_start_0:
0x88: {  	s2 =	sld [smem:$0x3FD9]  }
0x89: {  	s3 =	sld [smem:$0x3FFE];
	_ =	sdelay $0x1  }
0x8a: {  	s1 =	srdreg.scid  }
0x8b: {  	s0 =	sand.u32 $0x1, s1  }
0x8c: {  	s17 =	sshll.u32 s0, $0xA;
	s2 =	sadd.s32 s3, s2  }
0x8d: {  	s2 =	sadd.s32 s2, s17  }
0x8e: {  	[smem:$0x3FB9] =	sst s2  }
0x8f: {  	_ = 	snop  }
0x90: {  	s2 =	sld [smem:$0x3FC9]  }
0x91: {  	s18 =	sld [smem:$0x3FC8]  }
0x92: {  	s4 =	sld [smem:$0x3FC6]  }
0x93: {  	s5 =	sld [smem:$0x3FC5]  }
0x94: {  	s6 =	sld [smem:$0x3FC4]  }
0x95: {  	s7 =	sld [smem:$0x3FC3];
	(tm) =	ssettm $0x1  }
0x96: {  	s8 =	sld [smem:$0x3FFB];
	_ =	sdelay $0x3  }
0x97: {  	_ =	strace s8  }
0x98: {  	s8 =	sld [smem:$0x3FFC];
	_ =	sdelay $0x3  }
0x99: {  	_ =	strace s8  }
0x9a: {  	s8 =	sld [smem:$0x3FFD];
	_ =	sdelay $0x3  }
0x9b: {  	_ =	strace s8  }
0x9c: {  	_ =	strace $0x8FFFFFFF  }
0x9d: {  	s19 =	sld [smem:$0x3FDB];
	_ =	sdelay $0x1  }
0x9e: {  	s9 =	simm.s32 $_scs_section_size  }
0x9f: {  	s10 =	simm.s32 $_size__tile_overlayer_lowered;
	s11 =	simm.s32 $_tile_overlayer_lowered  }
0xa0: {  	s22 =	simm.s32 $0x1BFF;
	s21 =	sshll.u32 s11, $0x1;
	s8 =	sadd.s32 s9, s19  }
0xa1: {  	s12 =	simm.s32 $0x0;
	s20 =	sshll.u32 s10, $0x1;
	s10 =	sadd.s32 s21, s8  }
0xa2: {  	[timem:s12], [sflag:s22] =	dma.local [hbm:s10], s20  }
0xa3: {  	_ =	swait.ge [sflag:s22], s20  }
0xa4: {  	s9 =	ssub.s32 $0x0, s20;
	[sflag:s22] =	ssyncset.done $0x0  }
0xa5: {  	[sflag:s22] =	ssyncadd.s32 s9;
	_ =	sdelay $0x1  }
0xa6: {  	s23 =	simm.s32 $0x1B8B  }
0xa7: {  	_ =	swait.ge [sflag:s23], $0x1  }
0xa8: {  	[sflag:s23] =	ssyncset.done $0x0  }
0xa9: {  	s25 =	simm.s32 $0x1B8E;
	s24 =	sld [smem:$0x3FFE];
	[sflag:s23] =	ssyncadd.s32 $0xFFFFFFFF  }
0xaa: {  	s26 =	simm.s32 $execute0_lowered;
	[smem:$0x3FD2] =	sst s25  }
0xab: {  	s10 =	sshll.u32 s26, $0x1;
	_ =	strace $0x80000046;
	[dreg:$0x1] =	wrdreg $0xFFFFFFFF  }
0xac: {  	s28 =	simm.s32 $_size_execute0_lowered;
	s8 =	sadd.s32 s8, s10;
	[dreg:$0x0] =	wrdreg $0x0  }
0xad: {  	s10 =	sshll.u32 s28, $0x1;
	[dreg:$0x2] =	wrdreg s8  }
0xae: {  	[dreg:$0x3] =	wrdreg s10  }
0xaf: {  	[dreg:$0x4] =	wrdreg $0xC0  }
0xb0: {  	_ =	task [dreg:s12], $0x5FFFF  }
0xb1: {  	[dreg:$0x1] =	wrdreg $0xFFFFFFFF  }
0xb2: {  	[dreg:$0x0] =	wrdreg $0x60  }
0xb3: {  	[dreg:$0x2] =	wrdreg s2  }
0xb4: {  	[dreg:$0x3] =	wrdreg s18  }
0xb5: {  	[dreg:$0x4] =	wrdreg s4  }
0xb6: {  	[dreg:$0x5] =	wrdreg s5  }
0xb7: {  	[dreg:$0x6] =	wrdreg s6  }
0xb8: {  	[dreg:$0x7] =	wrdreg s7  }
0xb9: {  	[dreg:$0x8] =	wrdreg s24  }
0xba: {  	[dreg:$0x9] =	wrdreg $0x9  }
0xbb: {  	_ =	task.clear_ibuf [dreg:s12], $0xAFFFF;
	_ =	strace $0x90000046  }
0xbc: {  	s29 =	simm.s32 $0x9;
	_ =	strace $0x80000048  }
0xbd: {  	_ =	swait.ge [sflag:s29], $0x1  }
0xbe: {  	[sflag:s29] =	ssyncadd.s32 $0xFFFFFFFF  }
0xbf: {  	_ =	strace $0x90000048  }
0xc0: {  	_ =	sfence  }
0xc1: {  	s30 =	sld [smem:$0x0];
	_ =	sdelay $0x2  }
0xc2: {  	s31 =	sshll.u32 s1, $0xD;
	s1 =	sshrl.u32 s1, $0x2  }
0xc3: {  	s3 =	sand.u32 $0x4000, s31;
	s1 =	sadd.s32 s1, s30  }
0xc4: {  	s0 =	sor.u32 s3, s0;
	s1 =	sshll.u32 s1, $0x11  }
0xc5: {  	s0 =	sor.u32 s1, s0  }
0xc6: {  	s0 =	sadd.s32 $0x8F2B, s0  }
0xc7: {  	[sflag:s0] =	ssyncadd.remote.s32 $0x1  }
0xc8: {  	_ =	sfence.sel $0xFFFF  }
0xc9: {  	[dreg:$0x0] =	wrdreg $0xFFFFFFFF;
	(pc) =	sbr.abs _section_cstart, $3  }
0xca: {  	[dreg:$0x1] =	wrdreg $0xFFFFFFFF  }
0xcb: {  	_ =	task.clear_ibuf [dreg:s12], $0x2FFFF;
	_ =	strace $0x9FFFFFFF  }
0xcc: {  	(tm) =	ssettm $0x7FFFFFFF  }
0xcd: {  	_ =	shalt  }
tec
execute0_lowered:
.L_overlay_start_1:
0x0: {  	(tag) =	ssettag $0x1  }
0x1: {  	s7 =	rddreg [dreg:$0x0]  }
0x2: {  	s8 =	rddreg [dreg:$0x1]  }
0x3: {  	s1 =	rddreg [dreg:$0x2]  }
0x4: {  	s2 =	rddreg [dreg:$0x3];
	s4 =	srdreg.scid  }
0x5: {  	s3 =	rddreg [dreg:$0x4];
	s0 =	stileid.u32;
	s24 =	sand.u32 $0x1, s4  }
0x6: {  	s5 =	rddreg [dreg:$0x5];
	s9 =	sshll.u32 s0, $0x9;
	s10 =	sshll.u32 s24, $0x8  }
0x7: {  	s15 =	rddreg [dreg:$0x6];
	s6 =	simm.s32 $0x0;
	s14 =	sor.u32 s10, s9  }
0x8: {  	[smem:$0x7FF] =	sst s6;
	s9 =	sshrl.u32 s14, $0x3  }
0x9: {  	s4 =	rddreg [dreg:$0x7];
	_ =	strace $0x80000047;
	s7 =	sadd.s32 s7, s9  }
0xa: {  	[tilespmem:s6], [sflag:$0x1] =	stream.linear.gather [hbm4b:s7+s6], $0x100, $0x38;
	[tilespmem:$0x18200] =	vst v63  }
0xb: {  	s10 =	simm.s32 $0x1;
	s8 =	sadd.s32 s8, s9;
	s9 =	simm.s32 $0x100  }
0xc: {  	[tilespmem:s9], [sflag:$0x2] =	stream.linear.gather [hbm4b:s8+s6], $0x100, $0x38;
	[tilespmem:$0x18200] =	vst v63  }
0xd: {  	_ =	swait.ge [sflag:s10], $0x100  }
0xe: {  	[sflag:s10] =	ssyncset.done $0x0  }
0xf: {  	s11 =	simm.s32 $0x2;
	[sflag:s10] =	ssyncadd.s32 $0xFFFFFF00  }
0x10: {  	_ =	swait.ge [sflag:s11], $0x100  }
0x11: {  	[sflag:s11] =	ssyncset.done $0x0  }
0x12: {  	s12 =	simm.s32 $0x200;
	[sflag:s11] =	ssyncadd.s32 $0xFFFFFF00  }
0x13: {  	[tilespmem:s12], [sflag:$0x1] =	stream.indirect.gather [hbm4b:s1+s9], $0x80, s6, s9, $0xb8;
	[tilespmem:$0x18200] =	vst v63  }
0x14: {  	s13 =	simm.s32 $0x8200  }
0x15: {  	[tilespmem:s13], [sflag:$0x2] =	stream.indirect.gather [hbm4b:s2+s9], $0x80, s9, s9, $0xb8;
	[tilespmem:$0x18200] =	vst v63  }
0x16: {  	s16 =	sshll.u32 s14, $0x6;
	s14 =	simm.s32 $0x10200  }
0x17: {  	[tilespmem:s14], [sflag:$0x3] =	stream.indirect.gather [hbm4b:s3+s9], $0x80, s6, s9, $0xb8;
	[tilespmem:$0x18200] =	vst v63  }
0x18: {  	s18 =	simm.s32 $0x1000;
	_ =	swait.ge [sflag:s10], $0x8000  }
0x19: {  	s17 =	simm.s32 $0x4;
	s22 =	sadd.s32 s16, s15;
	[sflag:s10] =	ssyncset.done $0x0  }
0x1a: {  	s16 =	simm.s32 $0x400;
	s15 =	sadd.s32 $0x1C00, s22;
	[sflag:s10] =	ssyncadd.s32 $0xFFFF8000  }
0x1b: {  	[hbm4b:s15+s16] =	stream.strided.scatter [tilespmem:s12], [sflag:$0x4], $0x8000, s18, s16, $0x38;
	[tilespmem:$0x18200] =	vst v63  }
0x1c: {  	_ =	swait.ge [sflag:s17], $0x8000  }
0x1d: {  	[sflag:s17] =	ssyncset.done $0x0  }
0x1e: {  	[sflag:s17] =	ssyncadd.s32 $0xFFFF8000  }
0x1f: {  	[tilespmem:s12], [sflag:$0x1] =	stream.indirect.gather [hbm4b:s5+s9], $0x80, s9, s9, $0xb8;
	[tilespmem:$0x18200] =	vst v63  }
0x20: {  	_ =	swait.ge [sflag:s11], $0x8000  }
0x21: {  	[sflag:s11] =	ssyncset.done $0x0  }
0x22: {  	s20 =	simm.s32 $0x3;
	s19 =	sadd.s32 $0x1C80, s22;
	[sflag:s11] =	ssyncadd.s32 $0xFFFF8000  }
0x23: {  	[hbm4b:s19+s16] =	stream.strided.scatter [tilespmem:s13], [sflag:$0x5], $0x8000, s18, s16, $0x38;
	[tilespmem:$0x18200] =	vst v63  }
0x24: {  	_ =	swait.ge [sflag:s20], $0x8000  }
0x25: {  	[sflag:s20] =	ssyncset.done $0x0  }
0x26: {  	s21 =	sadd.s32 $0x1D00, s22;
	[sflag:s20] =	ssyncadd.s32 $0xFFFF8000  }
0x27: {  	[hbm4b:s21+s16] =	stream.strided.scatter [tilespmem:s14], [sflag:$0x6], $0x8000, s18, s16, $0x38;
	[tilespmem:$0x18200] =	vst v63  }
0x28: {  	_ =	swait.ge [sflag:s10], $0x8000  }
0x29: {  	s23 =	simm.s32 $0x5;
	s25 =	ssub.s32 $0x2, s24;
	[sflag:s10] =	ssyncset.done $0x0  }
0x2a: {  	s26 =	sshrl.u32 s25, $0x1;
	s22 =	sadd.s32 $0x1D80, s22;
	[sflag:s10] =	ssyncadd.s32 $0xFFFF8000  }
0x2b: {  	[hbm4b:s22+s16] =	stream.strided.scatter [tilespmem:s12], [sflag:$0x4], $0x8000, s18, s16, $0x38;
	[tilespmem:$0x18200] =	vst v63  }
0x2c: {  	s25 =	ssub.s32 s25, s26;
	_ =	swait.ge [sflag:s23], $0x8000  }
0x2d: {  	s25 =	smax.u32 s25, $0x1;
	[sflag:s23] =	ssyncset.done $0x0  }
0x2e: {  	s24 =	simm.s32 $0x6;
	p0 =	sne.s32 s25, $0x1;
	[sflag:s23] =	ssyncadd.s32 $0xFFFF8000  }
.Ltmp0:
0x2f: {  	_ =	swait.ge [sflag:s24], $0x8000;
	(pc) =	sbr.rel @!p0 .LBB2_2-.Ltmp0, $4  }
0x30: {  	[sflag:s24] =	ssyncset.done $0x0  }
0x31: {  	[sflag:s24] =	ssyncadd.s32 $0xFFFF8000  }
0x32: {  	_ =	swait.ge [sflag:s17], $0x8000  }
0x33: {  	s25 =	sadd.s32 $0xFFFFFFFF, s25;
	[sflag:s17] =	ssyncset.done $0x0  }
.LBB2_1:
0x34: {  	p0 =	sne.s32 s25, $0x1;
	s25 =	sadd.s32 $0xFFFFFFFF, s25;
	[sflag:s17] =	ssyncadd.s32 $0xFFFF8000  }
0x35: {  	[tilespmem:s6], [sflag:$0x1] =	stream.linear.gather [hbm4b:s7+s6], $0x100, $0x38;
	[tilespmem:$0x18200] =	vst v63  }
0x36: {  	_ = 	snop  }
0x37: {  	[tilespmem:s9], [sflag:$0x2] =	stream.linear.gather [hbm4b:s8+s6], $0x100, $0x38;
	[tilespmem:$0x18200] =	vst v63  }
0x38: {  	_ =	swait.ge [sflag:s10], $0x100  }
0x39: {  	[sflag:s10] =	ssyncset.done $0x0  }
0x3a: {  	[sflag:s10] =	ssyncadd.s32 $0xFFFFFF00  }
0x3b: {  	_ =	swait.ge [sflag:s11], $0x100  }
0x3c: {  	[sflag:s11] =	ssyncset.done $0x0  }
0x3d: {  	[sflag:s11] =	ssyncadd.s32 $0xFFFFFF00  }
0x3e: {  	[tilespmem:s12], [sflag:$0x1] =	stream.indirect.gather [hbm4b:s1+s9], $0x80, s6, s9, $0xb8;
	[tilespmem:$0x18200] =	vst v63  }
0x3f: {  	_ = 	snop  }
0x40: {  	[tilespmem:s13], [sflag:$0x2] =	stream.indirect.gather [hbm4b:s2+s9], $0x80, s9, s9, $0xb8;
	[tilespmem:$0x18200] =	vst v63  }
0x41: {  	_ = 	snop  }
0x42: {  	[tilespmem:s14], [sflag:$0x3] =	stream.indirect.gather [hbm4b:s3+s9], $0x80, s6, s9, $0xb8;
	[tilespmem:$0x18200] =	vst v63  }
0x43: {  	_ =	swait.ge [sflag:s10], $0x8000  }
0x44: {  	[sflag:s10] =	ssyncset.done $0x0  }
0x45: {  	[sflag:s10] =	ssyncadd.s32 $0xFFFF8000  }
0x46: {  	[hbm4b:s15+s16] =	stream.strided.scatter [tilespmem:s12], [sflag:$0x4], $0x8000, s18, s16, $0x38;
	[tilespmem:$0x18200] =	vst v63  }
0x47: {  	_ =	swait.ge [sflag:s17], $0x8000  }
0x48: {  	[sflag:s17] =	ssyncset.done $0x0  }
0x49: {  	[sflag:s17] =	ssyncadd.s32 $0xFFFF8000  }
0x4a: {  	[tilespmem:s12], [sflag:$0x1] =	stream.indirect.gather [hbm4b:s5+s9], $0x80, s9, s9, $0xb8;
	[tilespmem:$0x18200] =	vst v63  }
0x4b: {  	_ =	swait.ge [sflag:s11], $0x8000  }
0x4c: {  	[sflag:s11] =	ssyncset.done $0x0  }
0x4d: {  	[sflag:s11] =	ssyncadd.s32 $0xFFFF8000  }
0x4e: {  	[hbm4b:s19+s16] =	stream.strided.scatter [tilespmem:s13], [sflag:$0x5], $0x8000, s18, s16, $0x38;
	[tilespmem:$0x18200] =	vst v63  }
0x4f: {  	_ =	swait.ge [sflag:s20], $0x8000  }
0x50: {  	[sflag:s20] =	ssyncset.done $0x0  }
0x51: {  	[sflag:s20] =	ssyncadd.s32 $0xFFFF8000  }
0x52: {  	[hbm4b:s21+s16] =	stream.strided.scatter [tilespmem:s14], [sflag:$0x6], $0x8000, s18, s16, $0x38;
	[tilespmem:$0x18200] =	vst v63  }
0x53: {  	_ =	swait.ge [sflag:s10], $0x8000  }
0x54: {  	[sflag:s10] =	ssyncset.done $0x0  }
0x55: {  	[sflag:s10] =	ssyncadd.s32 $0xFFFF8000  }
0x56: {  	[hbm4b:s22+s16] =	stream.strided.scatter [tilespmem:s12], [sflag:$0x4], $0x8000, s18, s16, $0x38;
	[tilespmem:$0x18200] =	vst v63  }
0x57: {  	_ =	swait.ge [sflag:s23], $0x8000  }
0x58: {  	[sflag:s23] =	ssyncset.done $0x0  }
0x59: {  	[sflag:s23] =	ssyncadd.s32 $0xFFFF8000  }
.Ltmp1:
0x5a: {  	_ =	swait.ge [sflag:s24], $0x8000;
	(pc) =	sbr.rel @p0 .LBB2_1-.Ltmp1, $4  }
0x5b: {  	[sflag:s24] =	ssyncset.done $0x0  }
0x5c: {  	[sflag:s24] =	ssyncadd.s32 $0xFFFF8000  }
0x5d: {  	_ =	swait.ge [sflag:s17], $0x8000  }
0x5e: {  	[sflag:s17] =	ssyncset.done $0x0  }
.LBB2_2:
0x5f: {  	[sflag:s17] =	ssyncadd.s32 $0xFFFF8000  }
0x60: {  	_ =	sfence.sel $0x180000  }
0x61: {  	[bflag:$0x0] =	sbarrier.arrive $0xFFFF  }
0x62: {  	p0 =	sne.s32 s0, $0x0;
	_ =	strace $0x90000047  }
0x63: {  	s0 =	sadd.s32 @!p0 $0x100000, s4;
	[bflag:$0x2] =	sbarrier.arrive $0xFFFF  }
0x64: {  	[sflag:s0] =	ssyncadd.tile.s32 @!p0 $0x1;
	_ =	shalt  }
.Lfunc_end2:
_tile_overlayer_lowered:
.L_overlay_start_2:
0x65: {  	(tag) =	ssettag $0x2  }
0x66: {  	s0 =	rddreg [dreg:$0x0];
	s2 =	stileid.u32  }
0x67: {  	s1 =	rddreg [dreg:$0x1];
	p0 =	sne.s32 s2, $0x0  }
0x68: {  	s3 =	rddreg [dreg:$0x2];
	[bflag:$0x3] =	sbarrier.arrive $0xFFFF;
	s2 =	simm.s32 @!p0 $0x1C07  }
0x69: {  	[timem:s3], [sflag:s2] =	dma.local @!p0 [hbm:s0], s1  }
0x6a: {  	s0 =	simm.s32 @!p0 $0x7  }
0x6b: {  	_ =	swait.ge @!p0 [sflag:s0], s1  }
0x6c: {  	s1 =	ssub.s32 @!p0 $0x0, s1;
	[sflag:s0] =	ssyncset.done @!p0 $0x0  }
0x6d: {  	[sflag:s0] =	ssyncadd.s32 @!p0 s1  }
0x6e: {  	[bflag:$0x3] =	sbarrier.arrive $0xFFFF  }
0x6f: {  	_ =	shalt  }

// kernel: kernel.9.cloned.1.call-start
scs
__scs_entry_jumppad:
0x0: {  	(pc) =	sbr.rel $0x88, $3  }
0x1: {  	(tag) =	ssettag $0x0;
	lr =	simm.s32 $0x1  }
0x2: {  	[smem:$0x3F92] =	sst lr;
	_ =	strace $0xD0000000  }
0x3: {  	_ = 	snop  }
0x4: {  	_ = 	snop  }
0x5: {  	_ = 	snop  }
0x6: {  	_ = 	snop  }
0x7: {  	_ = 	snop  }
__scs_overlays_trampoline_lowered:
0x8: {  	[smem:$0x3FA1] =	sst s0  }
0x9: {  	[smem:$0x3FA2] =	sst s1  }
0xa: {  	[smem:$0x3FA3] =	sst s2  }
0xb: {  	[smem:$0x3FA4] =	sst s3  }
0xc: {  	[smem:$0x3FA5] =	sst s4  }
0xd: {  	[smem:$0x3FA6] =	sst s5  }
0xe: {  	[smem:$0x3FA7] =	sst s6  }
0xf: {  	[smem:$0x3FA8] =	sst s7  }
0x10: {  	[smem:$0x3FA9] =	sst s8  }
0x11: {  	[smem:$0x3FAA] =	sst s9;
	s0 =	simm.s32 @!p0 $0x0  }
0x12: {  	s1 =	sld [smem:$0x3F90];
	s0 =	simm.s32 @p0 $0x1  }
0x13: {  	[smem:$0x3FAB] =	sst s0;
	s0 =	simm.s32 @!p1 $0x0  }
0x14: {  	s2 =	sld [smem:$0x3F8F];
	s0 =	simm.s32 @p1 $0x1  }
0x15: {  	[smem:$0x3FAC] =	sst s0;
	s0 =	simm.s32 @!p2 $0x0  }
0x16: {  	s3 =	sld [smem:$0x3FDB];
	s0 =	simm.s32 @p2 $0x1  }
0x17: {  	s4 =	simm.s32 $0x1BF5;
	[smem:$0x3FAE] =	sst s0  }
0x18: {  	s0 =	sld [smem:$0x3F91];
	_ =	swait.ge [sflag:s4], $0x0  }
0x19: {  	s7 =	sld [smem:$0x3F92]  }
0x1a: {  	s8 =	sadd.s32 $0xFFFFE003, lr  }
0x1b: {  	s9 =	sadd.s32 $0xFFFFFEF7, lr;
	s5 =	simm.s32 $0xFFFFFFFF;
	p2 =	slt.u32 s8, $0xFFFFF086  }
0x1c: {  	p1 =	slt.u32 s9, $0xF7A;
	s5 =	simm.s32 @!p2 $0x0  }
0x1d: {  	s5 =	simm.s32 @p1 $0x1;
	p0 =	seq.s32 s7, s2  }
0x1e: {  	s7 =	smul.u32 @!p0 $0xF7A, s2;
	p2 =	seq.s32 @!p0 s5, $0x0  }
0x1f: {  	s9 =	smul.u32 $0xF7A, s1;
	s8 =	simm.s32 @!p0 $0x1BF5;
	p2 =	por !p2, p0  }
0x20: {  	[sflag:s8] =	ssyncset.s32 @!p0 $0xFFFFF086;
	s6 =	sadd.s32 @!p0 s3, s7;
	s7 =	simm.s32 @!p0 $0x108  }
0x21: {  	s3 =	sadd.s32 s3, s9;
	s6 =	sadd.s32 @!p0 $0x88, s6;
	s7 =	simm.s32 @p2 $0x1082  }
0x22: {  	[simem:s7], [sflag:s8] =	dma.local @!p0 [hbm:s6], $0xF7A  }
0x23: {  	s9 =	sor.u32 $0xD0000000, s2;
	s6 =	simm.s32 $0x108;
	_ =	swait.ge @!p0 [sflag:s8], $0x0  }
0x24: {  	s3 =	sadd.s32 $0x88, s3;
	s6 =	simm.s32 @!p1 $0x1082;
	[sflag:s4] =	ssyncset.s32 $0xFFFFF086  }
0x25: {  	[simem:s6], [sflag:s4] =	dma.local [hbm:s3], $0xF7A  }
0x26: {  	[smem:$0x3F92] =	sst s1;
	(tag) =	ssettag s2;
	_ =	strace s9  }
0x27: {  	s1 =	sld [smem:$0x3FA2]  }
0x28: {  	s2 =	sld [smem:$0x3FA3]  }
0x29: {  	s4 =	sld [smem:$0x3FA5]  }
0x2a: {  	p0 =	seq.s32 s5, $0x0;
	s5 =	sld [smem:$0x3FA6]  }
0x2b: {  	s6 =	sld [smem:$0x3FA7]  }
0x2c: {  	s7 =	sld [smem:$0x3FA8]  }
0x2d: {  	s3 =	simm.s32 $0x108;
	s8 =	sld [smem:$0x3FA9]  }
0x2e: {  	s3 =	simm.s32 @!p0 $0x1082;
	s9 =	sld [smem:$0x3FAA]  }
0x2f: {  	lr =	sadd.s32 s0, s3;
	s0 =	sld [smem:$0x3FA1]  }
0x30: {  	s3 =	sld [smem:$0x3FA4]  }
0x31: {  	[smem:$0x3FAD] =	sst s10  }
0x32: {  	s10 =	sld [smem:$0x3FAB];
	_ =	sdelay $0x3  }
0x33: {  	p0 =	seq.s32 s10, $0x1;
	s10 =	sld [smem:$0x3FAD];
	_ =	sdelay $0x3  }
0x34: {  	[smem:$0x3FAD] =	sst s10  }
0x35: {  	s10 =	sld [smem:$0x3FAC];
	_ =	sdelay $0x3  }
0x36: {  	p1 =	seq.s32 s10, $0x1;
	s10 =	sld [smem:$0x3FAD];
	_ =	sdelay $0x3  }
0x37: {  	[smem:$0x3FAD] =	sst s10  }
0x38: {  	s10 =	sld [smem:$0x3FAE]  }
0x39: {  	_ = 	snop;
	(pc) =	sbr.ind lr, $3  }
0x3a: {  	_ = 	snop  }
0x3b: {  	_ = 	snop  }
0x3c: {  	p2 =	seq.s32 s10, $0x1;
	s10 =	sld [smem:$0x3FAD]  }
0x3d: {  	_ =	shalt  }
0x3e: {  	_ =	shalt  }
0x3f: {  	_ =	shalt  }
0x40: {  	_ =	shalt  }
0x41: {  	_ =	shalt  }
0x42: {  	_ =	shalt  }
0x43: {  	_ =	shalt  }
0x44: {  	_ =	shalt  }
0x45: {  	_ =	shalt  }
0x46: {  	_ =	shalt  }
0x47: {  	_ =	shalt  }
0x48: {  	_ =	shalt  }
0x49: {  	_ =	shalt  }
0x4a: {  	_ =	shalt  }
0x4b: {  	_ =	shalt  }
0x4c: {  	_ =	shalt  }
0x4d: {  	_ =	shalt  }
0x4e: {  	_ =	shalt  }
0x4f: {  	_ =	shalt  }
0x50: {  	_ =	shalt  }
0x51: {  	_ =	shalt  }
0x52: {  	_ =	shalt  }
0x53: {  	_ =	shalt  }
0x54: {  	_ =	shalt  }
0x55: {  	_ =	shalt  }
0x56: {  	_ =	shalt  }
0x57: {  	_ =	shalt  }
0x58: {  	_ =	shalt  }
0x59: {  	_ =	shalt  }
0x5a: {  	_ =	shalt  }
0x5b: {  	_ =	shalt  }
0x5c: {  	_ =	shalt  }
0x5d: {  	_ =	shalt  }
0x5e: {  	_ =	shalt  }
0x5f: {  	_ =	shalt  }
0x60: {  	_ =	shalt  }
0x61: {  	_ =	shalt  }
0x62: {  	_ =	shalt  }
0x63: {  	_ =	shalt  }
0x64: {  	_ =	shalt  }
0x65: {  	_ =	shalt  }
0x66: {  	_ =	shalt  }
0x67: {  	_ =	shalt  }
0x68: {  	_ =	shalt  }
0x69: {  	_ =	shalt  }
0x6a: {  	_ =	shalt  }
0x6b: {  	_ =	shalt  }
0x6c: {  	_ =	shalt  }
0x6d: {  	_ =	shalt  }
0x6e: {  	_ =	shalt  }
0x6f: {  	_ =	shalt  }
0x70: {  	_ =	shalt  }
0x71: {  	_ =	shalt  }
0x72: {  	_ =	shalt  }
0x73: {  	_ =	shalt  }
0x74: {  	_ =	shalt  }
0x75: {  	_ =	shalt  }
0x76: {  	_ =	shalt  }
0x77: {  	_ =	shalt  }
0x78: {  	_ =	shalt  }
0x79: {  	_ =	shalt  }
0x7a: {  	_ =	shalt  }
0x7b: {  	_ =	shalt  }
0x7c: {  	_ =	shalt  }
0x7d: {  	_ =	shalt  }
0x7e: {  	_ =	shalt  }
0x7f: {  	_ =	shalt  }
0x80: {  	_ =	shalt  }
0x81: {  	_ =	shalt  }
0x82: {  	_ =	shalt  }
0x83: {  	_ =	shalt  }
0x84: {  	_ =	shalt  }
0x85: {  	_ =	shalt  }
0x86: {  	_ =	shalt  }
0x87: {  	_ =	shalt  }
.Lfunc_end0:
.L_simem_size_0:
called_computation.1_lowered:
.L_overlay_start_0:
0x88: {  	s2 =	sld [smem:$0x3FD9]  }
0x89: {  	s3 =	sld [smem:$0x3FFE];
	_ =	sdelay $0x1  }
0x8a: {  	s1 =	srdreg.scid  }
0x8b: {  	s0 =	sand.u32 $0x1, s1  }
0x8c: {  	s17 =	sshll.u32 s0, $0xA;
	s2 =	sadd.s32 s3, s2  }
0x8d: {  	s2 =	sadd.s32 s2, s17  }
0x8e: {  	[smem:$0x3FB9] =	sst s2  }
0x8f: {  	_ = 	snop  }
0x90: {  	s18 =	sld [smem:$0x3FC9]  }
0x91: {  	s4 =	sld [smem:$0x3FC8]  }
0x92: {  	s5 =	sld [smem:$0x3FC6]  }
0x93: {  	s6 =	sld [smem:$0x3FC5]  }
0x94: {  	s7 =	sld [smem:$0x3FC4]  }
0x95: {  	s8 =	sld [smem:$0x3FC3];
	(tm) =	ssettm $0x1  }
0x96: {  	s19 =	sld [smem:$0x3FFB];
	_ =	sdelay $0x3  }
0x97: {  	_ =	strace s19  }
0x98: {  	s2 =	sld [smem:$0x3FFC];
	_ =	sdelay $0x3  }
0x99: {  	_ =	strace s2  }
0x9a: {  	s2 =	sld [smem:$0x3FFD];
	_ =	sdelay $0x3  }
0x9b: {  	_ =	strace s2  }
0x9c: {  	_ =	strace $0x8FFFFFFF  }
0x9d: {  	s20 =	sld [smem:$0x3FDB];
	_ =	sdelay $0x1  }
0x9e: {  	s9 =	simm.s32 $_scs_section_size  }
0x9f: {  	s10 =	simm.s32 $_size__tile_overlayer_lowered;
	s11 =	simm.s32 $_tile_overlayer_lowered  }
0xa0: {  	s12 =	simm.s32 $0x1BFF;
	s21 =	sshll.u32 s11, $0x1;
	s9 =	sadd.s32 s9, s20  }
0xa1: {  	s22 =	simm.s32 $0x0;
	s10 =	sshll.u32 s10, $0x1;
	s11 =	sadd.s32 s21, s9  }
0xa2: {  	[timem:s22], [sflag:s12] =	dma.local [hbm:s11], s10  }
0xa3: {  	_ =	swait.ge [sflag:s12], s10  }
0xa4: {  	s10 =	ssub.s32 $0x0, s10;
	[sflag:s12] =	ssyncset.done $0x0  }
0xa5: {  	[sflag:s12] =	ssyncadd.s32 s10;
	_ =	sdelay $0x1  }
0xa6: {  	s23 =	simm.s32 $0x1B8B  }
0xa7: {  	_ =	swait.ge [sflag:s23], $0x1  }
0xa8: {  	[sflag:s23] =	ssyncset.done $0x0  }
0xa9: {  	[sflag:s23] =	ssyncadd.s32 $0xFFFFFFFF  }
0xaa: {  	s10 =	sld [smem:$0x0]  }
0xab: {  	s11 =	sand.u32 $0xFFFFFFFE, s1  }
0xac: {  	p0 =	sne.s32 s1, s11  }
0xad: {  	s11 =	sshll.u32 @p0 s11, $0xE  }
0xae: {  	s11 =	sadd.s32 @p0 $0x11B8D, s11;
	s12 =	sshll.u32 @p0 s10, $0x11  }
0xaf: {  	s11 =	sor.u32 @p0 s12, s11  }
0xb0: {  	[sflag:s11] =	ssyncadd.remote.s32 @p0 $0x1;
	_ =	sdelay $0x1  }
0xb1: {  	s11 =	simm.s32 @p0 $0x1B8D  }
0xb2: {  	_ =	swait.eq @p0 [sflag:s11], $0x1  }
0xb3: {  	[sflag:s11] =	ssyncadd.s32 @p0 $0xFFFFFFFF  }
0xb4: {  	s12 =	sshll.u32 @!p0 s1, $0xE  }
0xb5: {  	s12 =	sor.u32 @!p0 $0x4000, s12;
	s11 =	simm.s32 @!p0 $0x1B8D  }
0xb6: {  	s10 =	sshll.u32 @!p0 s10, $0x11;
	s12 =	sadd.s32 @!p0 $0x11B8D, s12;
	_ =	swait.eq @!p0 [sflag:s11], $0x1  }
0xb7: {  	s10 =	sor.u32 @!p0 s10, s12;
	[sflag:s11] =	ssyncadd.s32 @!p0 $0xFFFFFFFF  }
0xb8: {  	s25 =	simm.s32 $0x1B8E;
	s24 =	sld [smem:$0x3FFE];
	[sflag:s10] =	ssyncadd.remote.s32 @!p0 $0x1  }
0xb9: {  	s26 =	simm.s32 $execute0_lowered;
	[smem:$0x3FD2] =	sst s25  }
0xba: {  	s11 =	sshll.u32 s26, $0x1;
	_ =	strace $0x80000049;
	[dreg:$0x1] =	wrdreg $0xFFFFFFFF  }
0xbb: {  	s28 =	simm.s32 $_size_execute0_lowered;
	s9 =	sadd.s32 s9, s11;
	[dreg:$0x0] =	wrdreg $0x0  }
0xbc: {  	s11 =	sshll.u32 s28, $0x1;
	[dreg:$0x2] =	wrdreg s9  }
0xbd: {  	[dreg:$0x3] =	wrdreg s11  }
0xbe: {  	[dreg:$0x4] =	wrdreg $0xC0  }
0xbf: {  	_ =	task [dreg:s22], $0x5FFFF  }
0xc0: {  	[dreg:$0x1] =	wrdreg $0xFFFFFFFF  }
0xc1: {  	[dreg:$0x0] =	wrdreg $0x60  }
0xc2: {  	[dreg:$0x2] =	wrdreg s18  }
0xc3: {  	[dreg:$0x3] =	wrdreg s4  }
0xc4: {  	[dreg:$0x4] =	wrdreg s5  }
0xc5: {  	[dreg:$0x5] =	wrdreg s6  }
0xc6: {  	[dreg:$0x6] =	wrdreg s7  }
0xc7: {  	[dreg:$0x7] =	wrdreg s8  }
0xc8: {  	[dreg:$0x8] =	wrdreg s24  }
0xc9: {  	[dreg:$0x9] =	wrdreg $0xA  }
0xca: {  	_ =	task.clear_ibuf [dreg:s22], $0xAFFFF;
	_ =	strace $0x90000049  }
0xcb: {  	s29 =	simm.s32 $0xA;
	_ =	strace $0x8000004B  }
0xcc: {  	_ =	swait.ge [sflag:s29], $0x1  }
0xcd: {  	[sflag:s29] =	ssyncadd.s32 $0xFFFFFFFF  }
0xce: {  	_ =	strace $0x9000004B  }
0xcf: {  	_ =	sfence  }
0xd0: {  	s30 =	sld [smem:$0x0];
	_ =	sdelay $0x2  }
0xd1: {  	s31 =	sshll.u32 s1, $0xD;
	s1 =	sshrl.u32 s1, $0x2  }
0xd2: {  	s4 =	sand.u32 $0x4000, s31;
	s1 =	sadd.s32 s1, s30  }
0xd3: {  	s0 =	sor.u32 s4, s0;
	s1 =	sshll.u32 s1, $0x11  }
0xd4: {  	s0 =	sor.u32 s1, s0  }
0xd5: {  	s0 =	sadd.s32 $0x8F2B, s0  }
0xd6: {  	[sflag:s0] =	ssyncadd.remote.s32 $0x1  }
0xd7: {  	_ =	sfence.sel $0xFFFF  }
0xd8: {  	[dreg:$0x0] =	wrdreg $0xFFFFFFFF;
	(pc) =	sbr.abs _section_cstart, $3  }
0xd9: {  	[dreg:$0x1] =	wrdreg $0xFFFFFFFF  }
0xda: {  	_ =	task.clear_ibuf [dreg:s22], $0x2FFFF;
	_ =	strace $0x9FFFFFFF  }
0xdb: {  	(tm) =	ssettm $0x7FFFFFFF  }
tec
execute0_lowered:
.L_overlay_start_1:
0x0: {  	(tag) =	ssettag $0x1  }
0x1: {  	s7 =	rddreg [dreg:$0x0]  }
0x2: {  	s8 =	rddreg [dreg:$0x1]  }
0x3: {  	s1 =	rddreg [dreg:$0x2];
	s4 =	srdreg.scid  }
0x4: {  	s2 =	rddreg [dreg:$0x3];
	s0 =	stileid.u32;
	s24 =	sand.u32 $0x1, s4  }
0x5: {  	s3 =	rddreg [dreg:$0x4];
	s31 =	sshll.u32 s0, $0x9;
	s6 =	sshll.u32 s24, $0x8  }
0x6: {  	s5 =	rddreg [dreg:$0x5];
	s14 =	sor.u32 s6, s31  }
0x7: {  	s15 =	rddreg [dreg:$0x6];
	s6 =	simm.s32 $0x0;
	s9 =	sshrl.u32 s14, $0x3  }
0x8: {  	[smem:$0x7FF] =	sst s6;
	s9 =	sor.u32 $0x400, s9  }
0x9: {  	s4 =	rddreg [dreg:$0x7];
	_ =	strace $0x8000004A;
	s7 =	sadd.s32 s7, s9  }
0xa: {  	[tilespmem:s6], [sflag:$0x1] =	stream.linear.gather [hbm4b:s7+s6], $0x100, $0x38;
	[tilespmem:$0x18200] =	vst v63  }
0xb: {  	s10 =	simm.s32 $0x1;
	s8 =	sadd.s32 s8, s9;
	s9 =	simm.s32 $0x100  }
0xc: {  	[tilespmem:s9], [sflag:$0x2] =	stream.linear.gather [hbm4b:s8+s6], $0x100, $0x38;
	[tilespmem:$0x18200] =	vst v63  }
0xd: {  	_ =	swait.ge [sflag:s10], $0x100  }
0xe: {  	[sflag:s10] =	ssyncset.done $0x0  }
0xf: {  	s11 =	simm.s32 $0x2;
	[sflag:s10] =	ssyncadd.s32 $0xFFFFFF00  }
0x10: {  	_ =	swait.ge [sflag:s11], $0x100  }
0x11: {  	[sflag:s11] =	ssyncset.done $0x0  }
0x12: {  	s12 =	simm.s32 $0x200;
	[sflag:s11] =	ssyncadd.s32 $0xFFFFFF00  }
0x13: {  	[tilespmem:s12], [sflag:$0x1] =	stream.indirect.gather [hbm4b:s1+s9], $0x80, s6, s9, $0xb8;
	[tilespmem:$0x18200] =	vst v63  }
0x14: {  	s13 =	simm.s32 $0x8200  }
0x15: {  	[tilespmem:s13], [sflag:$0x2] =	stream.indirect.gather [hbm4b:s2+s9], $0x80, s9, s9, $0xb8;
	[tilespmem:$0x18200] =	vst v63  }
0x16: {  	s16 =	sshll.u32 s14, $0x6;
	s14 =	simm.s32 $0x10200  }
0x17: {  	[tilespmem:s14], [sflag:$0x3] =	stream.indirect.gather [hbm4b:s3+s9], $0x80, s6, s9, $0xb8;
	[tilespmem:$0x18200] =	vst v63  }
0x18: {  	s18 =	simm.s32 $0x1000;
	_ =	swait.ge [sflag:s10], $0x8000  }
0x19: {  	s17 =	simm.s32 $0x4;
	s22 =	sadd.s32 s16, s15;
	[sflag:s10] =	ssyncset.done $0x0  }
0x1a: {  	s16 =	simm.s32 $0x400;
	s15 =	sadd.s32 $0x81C00, s22;
	[sflag:s10] =	ssyncadd.s32 $0xFFFF8000  }
0x1b: {  	[hbm4b:s15+s16] =	stream.strided.scatter [tilespmem:s12], [sflag:$0x4], $0x8000, s18, s16, $0x38;
	[tilespmem:$0x18200] =	vst v63  }
0x1c: {  	_ =	swait.ge [sflag:s17], $0x8000  }
0x1d: {  	[sflag:s17] =	ssyncset.done $0x0  }
0x1e: {  	[sflag:s17] =	ssyncadd.s32 $0xFFFF8000  }
0x1f: {  	[tilespmem:s12], [sflag:$0x1] =	stream.indirect.gather [hbm4b:s5+s9], $0x80, s9, s9, $0xb8;
	[tilespmem:$0x18200] =	vst v63  }
0x20: {  	_ =	swait.ge [sflag:s11], $0x8000  }
0x21: {  	[sflag:s11] =	ssyncset.done $0x0  }
0x22: {  	s20 =	simm.s32 $0x3;
	s19 =	sadd.s32 $0x81C80, s22;
	[sflag:s11] =	ssyncadd.s32 $0xFFFF8000  }
0x23: {  	[hbm4b:s19+s16] =	stream.strided.scatter [tilespmem:s13], [sflag:$0x5], $0x8000, s18, s16, $0x38;
	[tilespmem:$0x18200] =	vst v63  }
0x24: {  	_ =	swait.ge [sflag:s20], $0x8000  }
0x25: {  	[sflag:s20] =	ssyncset.done $0x0  }
0x26: {  	s21 =	sadd.s32 $0x81D00, s22;
	[sflag:s20] =	ssyncadd.s32 $0xFFFF8000  }
0x27: {  	[hbm4b:s21+s16] =	stream.strided.scatter [tilespmem:s14], [sflag:$0x6], $0x8000, s18, s16, $0x38;
	[tilespmem:$0x18200] =	vst v63  }
0x28: {  	_ =	swait.ge [sflag:s10], $0x8000  }
0x29: {  	s23 =	simm.s32 $0x5;
	s25 =	ssub.s32 $0x2, s24;
	[sflag:s10] =	ssyncset.done $0x0  }
0x2a: {  	s26 =	sshrl.u32 s25, $0x1;
	s22 =	sadd.s32 $0x81D80, s22;
	[sflag:s10] =	ssyncadd.s32 $0xFFFF8000  }
0x2b: {  	[hbm4b:s22+s16] =	stream.strided.scatter [tilespmem:s12], [sflag:$0x4], $0x8000, s18, s16, $0x38;
	[tilespmem:$0x18200] =	vst v63  }
0x2c: {  	s25 =	ssub.s32 s25, s26;
	_ =	swait.ge [sflag:s23], $0x8000  }
0x2d: {  	s25 =	smax.u32 s25, $0x1;
	[sflag:s23] =	ssyncset.done $0x0  }
0x2e: {  	s24 =	simm.s32 $0x6;
	p0 =	sne.s32 s25, $0x1;
	[sflag:s23] =	ssyncadd.s32 $0xFFFF8000  }
.Ltmp0:
0x2f: {  	_ =	swait.ge [sflag:s24], $0x8000;
	(pc) =	sbr.rel @!p0 .LBB2_2-.Ltmp0, $4  }
0x30: {  	[sflag:s24] =	ssyncset.done $0x0  }
0x31: {  	[sflag:s24] =	ssyncadd.s32 $0xFFFF8000  }
0x32: {  	_ =	swait.ge [sflag:s17], $0x8000  }
0x33: {  	s25 =	sadd.s32 $0xFFFFFFFF, s25;
	[sflag:s17] =	ssyncset.done $0x0  }
.LBB2_1:
0x34: {  	p0 =	sne.s32 s25, $0x1;
	s25 =	sadd.s32 $0xFFFFFFFF, s25;
	[sflag:s17] =	ssyncadd.s32 $0xFFFF8000  }
0x35: {  	[tilespmem:s6], [sflag:$0x1] =	stream.linear.gather [hbm4b:s7+s6], $0x100, $0x38;
	[tilespmem:$0x18200] =	vst v63  }
0x36: {  	_ = 	snop  }
0x37: {  	[tilespmem:s9], [sflag:$0x2] =	stream.linear.gather [hbm4b:s8+s6], $0x100, $0x38;
	[tilespmem:$0x18200] =	vst v63  }
0x38: {  	_ =	swait.ge [sflag:s10], $0x100  }
0x39: {  	[sflag:s10] =	ssyncset.done $0x0  }
0x3a: {  	[sflag:s10] =	ssyncadd.s32 $0xFFFFFF00  }
0x3b: {  	_ =	swait.ge [sflag:s11], $0x100  }
0x3c: {  	[sflag:s11] =	ssyncset.done $0x0  }
0x3d: {  	[sflag:s11] =	ssyncadd.s32 $0xFFFFFF00  }
0x3e: {  	[tilespmem:s12], [sflag:$0x1] =	stream.indirect.gather [hbm4b:s1+s9], $0x80, s6, s9, $0xb8;
	[tilespmem:$0x18200] =	vst v63  }
0x3f: {  	_ = 	snop  }
0x40: {  	[tilespmem:s13], [sflag:$0x2] =	stream.indirect.gather [hbm4b:s2+s9], $0x80, s9, s9, $0xb8;
	[tilespmem:$0x18200] =	vst v63  }
0x41: {  	_ = 	snop  }
0x42: {  	[tilespmem:s14], [sflag:$0x3] =	stream.indirect.gather [hbm4b:s3+s9], $0x80, s6, s9, $0xb8;
	[tilespmem:$0x18200] =	vst v63  }
0x43: {  	_ =	swait.ge [sflag:s10], $0x8000  }
0x44: {  	[sflag:s10] =	ssyncset.done $0x0  }
0x45: {  	[sflag:s10] =	ssyncadd.s32 $0xFFFF8000  }
0x46: {  	[hbm4b:s15+s16] =	stream.strided.scatter [tilespmem:s12], [sflag:$0x4], $0x8000, s18, s16, $0x38;
	[tilespmem:$0x18200] =	vst v63  }
0x47: {  	_ =	swait.ge [sflag:s17], $0x8000  }
0x48: {  	[sflag:s17] =	ssyncset.done $0x0  }
0x49: {  	[sflag:s17] =	ssyncadd.s32 $0xFFFF8000  }
0x4a: {  	[tilespmem:s12], [sflag:$0x1] =	stream.indirect.gather [hbm4b:s5+s9], $0x80, s9, s9, $0xb8;
	[tilespmem:$0x18200] =	vst v63  }
0x4b: {  	_ =	swait.ge [sflag:s11], $0x8000  }
0x4c: {  	[sflag:s11] =	ssyncset.done $0x0  }
0x4d: {  	[sflag:s11] =	ssyncadd.s32 $0xFFFF8000  }
0x4e: {  	[hbm4b:s19+s16] =	stream.strided.scatter [tilespmem:s13], [sflag:$0x5], $0x8000, s18, s16, $0x38;
	[tilespmem:$0x18200] =	vst v63  }
0x4f: {  	_ =	swait.ge [sflag:s20], $0x8000  }
0x50: {  	[sflag:s20] =	ssyncset.done $0x0  }
0x51: {  	[sflag:s20] =	ssyncadd.s32 $0xFFFF8000  }
0x52: {  	[hbm4b:s21+s16] =	stream.strided.scatter [tilespmem:s14], [sflag:$0x6], $0x8000, s18, s16, $0x38;
	[tilespmem:$0x18200] =	vst v63  }
0x53: {  	_ =	swait.ge [sflag:s10], $0x8000  }
0x54: {  	[sflag:s10] =	ssyncset.done $0x0  }
0x55: {  	[sflag:s10] =	ssyncadd.s32 $0xFFFF8000  }
0x56: {  	[hbm4b:s22+s16] =	stream.strided.scatter [tilespmem:s12], [sflag:$0x4], $0x8000, s18, s16, $0x38;
	[tilespmem:$0x18200] =	vst v63  }
0x57: {  	_ =	swait.ge [sflag:s23], $0x8000  }
0x58: {  	[sflag:s23] =	ssyncset.done $0x0  }
0x59: {  	[sflag:s23] =	ssyncadd.s32 $0xFFFF8000  }
.Ltmp1:
0x5a: {  	_ =	swait.ge [sflag:s24], $0x8000;
	(pc) =	sbr.rel @p0 .LBB2_1-.Ltmp1, $4  }
0x5b: {  	[sflag:s24] =	ssyncset.done $0x0  }
0x5c: {  	[sflag:s24] =	ssyncadd.s32 $0xFFFF8000  }
0x5d: {  	_ =	swait.ge [sflag:s17], $0x8000  }
0x5e: {  	[sflag:s17] =	ssyncset.done $0x0  }
.LBB2_2:
0x5f: {  	[sflag:s17] =	ssyncadd.s32 $0xFFFF8000  }
0x60: {  	_ =	sfence.sel $0x180000  }
0x61: {  	[bflag:$0x0] =	sbarrier.arrive $0xFFFF  }
0x62: {  	p0 =	sne.s32 s0, $0x0;
	_ =	strace $0x9000004A  }
0x63: {  	s0 =	sadd.s32 @!p0 $0x100000, s4;
	[bflag:$0x2] =	sbarrier.arrive $0xFFFF  }
0x64: {  	[sflag:s0] =	ssyncadd.tile.s32 @!p0 $0x1;
	_ =	shalt  }
.Lfunc_end2:
_tile_overlayer_lowered:
.L_overlay_start_2:
0x65: {  	(tag) =	ssettag $0x2  }
0x66: {  	s0 =	rddreg [dreg:$0x0];
	s2 =	stileid.u32  }
0x67: {  	s1 =	rddreg [dreg:$0x1];
	p0 =	sne.s32 s2, $0x0  }
0x68: {  	s3 =	rddreg [dreg:$0x2];
	[bflag:$0x3] =	sbarrier.arrive $0xFFFF;
	s2 =	simm.s32 @!p0 $0x1C07  }
0x69: {  	[timem:s3], [sflag:s2] =	dma.local @!p0 [hbm:s0], s1  }
0x6a: {  	s0 =	simm.s32 @!p0 $0x7  }
0x6b: {  	_ =	swait.ge @!p0 [sflag:s0], s1  }
0x6c: {  	s1 =	ssub.s32 @!p0 $0x0, s1;
	[sflag:s0] =	ssyncset.done @!p0 $0x0  }
0x6d: {  	[sflag:s0] =	ssyncadd.s32 @!p0 s1  }
0x6e: {  	[bflag:$0x3] =	sbarrier.arrive $0xFFFF  }
0x6f: {  	_ =	shalt  }

</sc_bundles>
